<compile_context>
chip_gen: v7x
topology: tpu7x:2x2x1
jax: 0.10.2.dev20260603
libtpu: 0.0.44.dev20260713+nightly
codegen_flags: <defaults>
</compile_context>

<pallas_src>
import functools

import jax
import jax.numpy as jnp
from jax import lax
from jax.experimental import pallas as pl
from jax.experimental.pallas import tpu as pltpu
from jax.experimental.pallas import tpu_sc as plsc

NC = 2
NS = 16
L = 16
NW = NC * NS

B = 128


def _zero_vmem_1d(ref, n):
    def body(i, _):
        ref[pl.ds(i * L, L)] = jnp.zeros((L,), jnp.float32)
        return 0
    lax.fori_loop(0, n // L, body, 0)


def _fill_vmem_1d(ref, n, val):
    def body(i, _):
        ref[pl.ds(i * L, L)] = jnp.full((L,), val, jnp.float32)
        return 0
    lax.fori_loop(0, n // L, body, 0)


def _zero_vmem_2d(ref, rows, cols):
    def body(i, _):
        r = i // (cols // L)
        k = i % (cols // L)
        ref[r, pl.ds(k * L, L)] = jnp.zeros((L,), jnp.float32)
        return 0
    lax.fori_loop(0, rows * (cols // L), body, 0)


def _make_deg_kernel(NP, KC):
    mesh = plsc.VectorSubcoreMesh(core_axis_name="c", subcore_axis_name="s")
    rows_per_tile = NP // NS

    @functools.partial(
        pl.kernel,
        out_type=jax.ShapeDtypeStruct((NC, NP), jnp.float32),
        mesh=mesh,
        scratch_types=[
            pltpu.VMEM((KC, B), jnp.int32),
            pltpu.VMEM((B,), jnp.float32),
            pltpu.VMEM((rows_per_tile,), jnp.float32),
            pltpu.VMEM_SHARED((NP,), jnp.float32),
            pltpu.SemaphoreType.DMA,
            pltpu.SemaphoreType.DMA,
        ],
    )
    def deg_kernel(dst3_hbm, deg_out, idx_v, ones_v, zeros_v, deg_sp,
                   isem, ssem):
        c = lax.axis_index("c")
        s = lax.axis_index("s")
        wid = c * NS + s

        idx_cp = pltpu.async_copy(dst3_hbm.at[wid], idx_v, isem)
        _fill_vmem_1d(ones_v, B, 1.0)
        _zero_vmem_1d(zeros_v, rows_per_tile)
        pltpu.sync_copy(zeros_v, deg_sp.at[pl.ds(s * rows_per_tile, rows_per_tile)])
        idx_cp.wait()
        plsc.subcore_barrier()

        def body(j, _):
            pltpu.async_copy(ones_v, deg_sp.at[idx_v.at[j]], ssem, add=True)
            return 0
        lax.fori_loop(0, KC, body, 0)

        def drain(j, _):
            pltpu.make_async_copy(ones_v, deg_sp.at[idx_v.at[0]], ssem).wait()
            return 0
        lax.fori_loop(0, KC, drain, 0)

        plsc.subcore_barrier()
        pltpu.sync_copy(
            deg_sp.at[pl.ds(s * rows_per_tile, rows_per_tile)],
            deg_out.at[c, pl.ds(s * rows_per_tile, rows_per_tile)],
        )

    return deg_kernel


def _mm_scale_body(x_ref, w1_ref, deg_ref, dinv_ref, hs_ref):
    deg2 = deg_ref[...]
    deg = (deg2[0] + deg2[1])[:, None]
    y = lax.rsqrt(deg)
    dinv = y * (1.5 - 0.5 * deg * y * y)
    dinv_ref[...] = dinv
    h = jnp.dot(x_ref[...], w1_ref[...], preferred_element_type=jnp.float32,
                precision=lax.Precision.HIGHEST)
    hs_ref[...] = h * dinv


def _make_mm_scale(NP, N, D, FP, blk):
    grid = NP // blk
    return pl.pallas_call(
        _mm_scale_body,
        grid=(grid,),
        in_specs=[
            pl.BlockSpec((blk, D), lambda i: (i, 0)),
            pl.BlockSpec((D, FP), lambda i: (0, 0)),
            pl.BlockSpec((NC, blk), lambda i: (0, i)),
        ],
        out_specs=[
            pl.BlockSpec((blk, 1), lambda i: (i, 0)),
            pl.BlockSpec((blk, FP), lambda i: (i, 0)),
        ],
        out_shape=[
            jax.ShapeDtypeStruct((NP, 1), jnp.float32),
            jax.ShapeDtypeStruct((NP, FP), jnp.float32),
        ],
    )


def _make_edge_kernel(NP, FP, KC):
    mesh = plsc.VectorSubcoreMesh(core_axis_name="c", subcore_axis_name="s")
    rows_per_tile = NP // NS

    @functools.partial(
        pl.kernel,
        out_type=[
            jax.ShapeDtypeStruct((NC, NP, FP), jnp.float32),
            jax.ShapeDtypeStruct((NC, NP), jnp.float32),
        ],
        mesh=mesh,
        scratch_types=[
            pltpu.VMEM((KC, B), jnp.int32),
            pltpu.VMEM((KC, B), jnp.int32),
            pltpu.VMEM((2, B, FP), jnp.float32),
            pltpu.VMEM((2, B), jnp.float32),
            pltpu.VMEM((L, FP), jnp.float32),
            pltpu.VMEM((B,), jnp.float32),
            pltpu.VMEM_SHARED((NP, FP), jnp.float32),
            pltpu.VMEM_SHARED((NP,), jnp.float32),
            pltpu.VMEM_SHARED((NP,), jnp.float32),
            pltpu.SemaphoreType.DMA,
            pltpu.SemaphoreType.DMA,
            pltpu.SemaphoreType.DMA,
            pltpu.SemaphoreType.DMA,
            pltpu.SemaphoreType.DMA,
            pltpu.SemaphoreType.DMA,
            pltpu.SemaphoreType.DMA,
            pltpu.SemaphoreType.DMA,
        ],
        compiler_params=pltpu.CompilerParams(needs_layout_passes=False),
    )
    def edge_kernel(src3_hbm, dst3_hbm, hs_hbm, dinv_hbm,
                    agg_out, r_out,
                    sidx, didx, rows_v, dvals, zrows, zvec,
                    agg_sp, r_sp, dinv_sp,
                    sem0, sem1, dsem0, dsem1,
                    ssem0, ssem1, rsem0, rsem1):
        c = lax.axis_index("c")
        s = lax.axis_index("s")
        wid = c * NS + s
        gsem = (sem0, sem1)
        dsem = (dsem0, dsem1)
        ssem = (ssem0, ssem1)
        rsem = (rsem0, rsem1)

        s_cp = pltpu.async_copy(src3_hbm.at[wid], sidx, sem0)
        d_cp = pltpu.async_copy(dst3_hbm.at[wid], didx, sem1)
        @pl.when(s == 0)
        def _():
            pltpu.async_copy(dinv_hbm, dinv_sp, dsem0)

        _zero_vmem_2d(zrows, L, FP)
        nz = rows_per_tile // L
        def zbody(i, _):
            pltpu.sync_copy(
                zrows, agg_sp.at[pl.ds(s * rows_per_tile + i * L, L)])
            return 0
        lax.fori_loop(0, nz, zbody, 0)
        _zero_vmem_1d(zvec, B)
        def zrbody(i, _):
            pltpu.sync_copy(zvec, r_sp.at[pl.ds(s * rows_per_tile + i * B, B)])
            return 0
        lax.fori_loop(0, rows_per_tile // B, zrbody, 0)

        s_cp.wait()
        d_cp.wait()
        @pl.when(s == 0)
        def _():
            pltpu.make_async_copy(dinv_hbm, dinv_sp, dsem0).wait()
        plsc.subcore_barrier()

        def start(j, b):
            pltpu.async_copy(hs_hbm.at[sidx.at[j]], rows_v.at[b], gsem[b])
            pltpu.async_copy(dinv_sp.at[didx.at[j]], dvals.at[b], dsem[b])

        def wait_scatter(j, b):
            pltpu.make_async_copy(
                rows_v.at[b], agg_sp.at[didx.at[j]], ssem[b]).wait()
            pltpu.make_async_copy(
                dvals.at[b], r_sp.at[sidx.at[j]], rsem[b]).wait()

        def finish(j, b):
            pltpu.make_async_copy(
                hs_hbm.at[sidx.at[j]], rows_v.at[b], gsem[b]).wait()
            pltpu.make_async_copy(
                dinv_sp.at[didx.at[j]], dvals.at[b], dsem[b]).wait()
            pltpu.async_copy(rows_v.at[b], agg_sp.at[didx.at[j]], ssem[b],
                             add=True)
            pltpu.async_copy(dvals.at[b], r_sp.at[sidx.at[j]], rsem[b],
                             add=True)

        start(0, 0)

        def body(jj, _):
            for b in range(2):
                j = jj * 2 + b
                @pl.when(j + 1 < KC)
                def _():
                    @pl.when(j >= 1)
                    def _():
                        wait_scatter(j - 1, 1 - b)
                    start(j + 1, 1 - b)
                finish(j, b)
            return 0
        lax.fori_loop(0, KC // 2, body, 0)
        wait_scatter(KC - 2, (KC - 2) % 2)
        wait_scatter(KC - 1, (KC - 1) % 2)

        plsc.subcore_barrier()
        pltpu.sync_copy(
            agg_sp.at[pl.ds(s * rows_per_tile, rows_per_tile)],
            agg_out.at[c, pl.ds(s * rows_per_tile, rows_per_tile)],
        )
        pltpu.sync_copy(
            r_sp.at[pl.ds(s * rows_per_tile, rows_per_tile)],
            r_out.at[c, pl.ds(s * rows_per_tile, rows_per_tile)],
        )

    return edge_kernel


def _make_final(NP, N, F1, FP, blk):
    grid = NP // blk

    def body(agg_ref, dinv_ref, r_ref, b1_ref,
             w2_ref, b2_ref, wf_ref, bf_ref, out_ref, acc):
        i = pl.program_id(0)
        agg2 = agg_ref[...]
        agg = agg2[0] + agg2[1]
        dinv = dinv_ref[...]
        r2 = r_ref[...]
        r = (r2[0] + r2[1])[:, None]
        h1 = jnp.maximum(dinv * agg + b1_ref[...], 0.0)
        cvec = dinv * r
        row = i * blk + lax.broadcasted_iota(jnp.int32, (blk, 1), 0)
        prod = jnp.where(row < N, cvec * h1, 0.0)
        part = jnp.sum(prod, axis=0, keepdims=True)

        @pl.when(i == 0)
        def _():
            acc[...] = jnp.zeros_like(acc)
        acc[...] += part

        @pl.when(i == grid - 1)
        def _():
            s = acc[...] * (1.0 / N)
            t1 = jnp.dot(s, w2_ref[...], preferred_element_type=jnp.float32,
                         precision=lax.Precision.HIGHEST)
            t1 = t1 + b2_ref[...]
            o = jnp.dot(t1, wf_ref[...], preferred_element_type=jnp.float32,
                        precision=lax.Precision.HIGHEST)
            out_ref[...] = o + bf_ref[...]

    return pl.pallas_call(
        body,
        grid=(grid,),
        in_specs=[
            pl.BlockSpec((NC, blk, FP), lambda i: (0, i, 0)),
            pl.BlockSpec((blk, 1), lambda i: (i, 0)),
            pl.BlockSpec((NC, blk), lambda i: (0, i)),
            pl.BlockSpec((1, FP), lambda i: (0, 0)),
            pl.BlockSpec((FP, 128), lambda i: (0, 0)),
            pl.BlockSpec((1, 128), lambda i: (0, 0)),
            pl.BlockSpec((128, 128), lambda i: (0, 0)),
            pl.BlockSpec((1, 128), lambda i: (0, 0)),
        ],
        out_specs=pl.BlockSpec((1, 128), lambda i: (0, 0)),
        out_shape=jax.ShapeDtypeStruct((1, 128), jnp.float32),
        scratch_shapes=[pltpu.VMEM((1, FP), jnp.float32)],
    )


def kernel(x, edge_index, W1, b1, W2, b2, Wf, bf):
    N, D = x.shape
    E = edge_index.shape[1]
    F1 = W1.shape[1]
    FP = 128

    blk = 1024
    NP = ((N + 1024) // 1024) * 1024
    npad_rows = NP - N
    E2 = E + N
    EP = ((E2 + NW * B - 1) // (NW * B)) * (NW * B)
    KC = EP // (NW * B)

    src = edge_index[0]
    dst = edge_index[1]
    loop = jnp.arange(N, dtype=src.dtype)
    pad_idx = (N + (jnp.arange(EP - E2, dtype=jnp.int32) % npad_rows)).astype(src.dtype)
    src3 = jnp.concatenate([src, loop, pad_idx]).reshape(NW, KC, B)
    dst3 = jnp.concatenate([dst, loop, pad_idx]).reshape(NW, KC, B)

    W1p = jnp.pad(W1, ((0, 0), (0, FP - F1)))
    degp = _make_deg_kernel(NP, KC)(dst3)
    dinv2, hs = _make_mm_scale(NP, N, D, FP, blk)(x, W1p, degp)
    dinv1 = dinv2.reshape(NP)
    aggp, rp = _make_edge_kernel(NP, FP, KC)(src3, dst3, hs, dinv1)

    W2r = W2.astype(jnp.bfloat16).astype(jnp.float32)
    Wfr = Wf.astype(jnp.bfloat16).astype(jnp.float32)
    b1r = jnp.pad(b1, (0, FP - F1)).reshape(1, FP)
    W2p = jnp.pad(W2r, ((0, FP - W2.shape[0]), (0, 128 - W2.shape[1])))
    b2p = jnp.pad(b2, (0, 128 - b2.shape[0])).reshape(1, 128)
    Wfp = jnp.pad(Wfr, ((0, 128 - Wf.shape[0]), (0, 128 - Wf.shape[1])))
    bfp = jnp.pad(bf, (0, 128 - bf.shape[0])).reshape(1, 128)

    outp = _make_final(NP, N, F1, FP, blk)(
        aggp, dinv2, rp, b1r, W2p, b2p, Wfp, bfp)
    return outp[:, :bf.shape[0]]

# --- scband reference (transcript-rebuilt; emitter-appended) ---
"""Pipeline reference for scband-weather-gnn-58188216926597 (READ-ONLY COPY).

The authoritative reference and input builder live on the scoring server;
editing this copy changes nothing except your own understanding.
"""

import jax, jax.numpy as jnp
import numpy as np

N = 10000
E = 160000
D = 256

def setup_inputs(seed: int = 0) -> dict:
    key = jax.random.key(seed)
    ks = jax.random.split(key, 9)
    x = jax.random.normal(ks[0], (N, D), dtype=jnp.float32)
    edge_index = jax.random.randint(ks[1], (2, E), 0, N, dtype=jnp.int32)
    # GCNConv layer 1: in=256 out=64 (weight, bias)
    W1 = jax.random.normal(ks[2], (D, 64), dtype=jnp.float32) * (1.0 / np.sqrt(D))
    b1 = jnp.zeros((64,), dtype=jnp.float32)
    # GCNConv layer 2: in=64 out=32
    W2 = jax.random.normal(ks[3], (64, 32), dtype=jnp.float32) * (1.0 / np.sqrt(64))
    b2 = jnp.zeros((32,), dtype=jnp.float32)
    # final Linear: 32 -> 3
    Wf = jax.random.normal(ks[4], (32, 3), dtype=jnp.float32) * (1.0 / np.sqrt(32))
    bf = jnp.zeros((3,), dtype=jnp.float32)
    return {"x": x, "edge_index": edge_index, "W1": W1, "b1": b1, "W2": W2, "b2": b2, "Wf": Wf, "bf": bf}


def _gcn_conv(x, edge_index, W, b):
    # Faithful PyG GCNConv: add self-loops, symmetric normalization,
    # linear transform, scatter-add aggregation, then bias.
    n = x.shape[0]
    loop = jnp.arange(n, dtype=edge_index.dtype)
    src = jnp.concatenate([edge_index[0], loop])
    dst = jnp.concatenate([edge_index[1], loop])
    deg = jnp.zeros((n,), dtype=jnp.float32).at[dst].add(1.0)
    dinv = jnp.where(deg > 0, deg ** -0.5, 0.0)
    norm = dinv[src] * dinv[dst]
    h = x @ W
    msg = h[src] * norm[:, None]
    out = jnp.zeros((n, W.shape[1]), dtype=h.dtype).at[dst].add(msg)
    return out + b


def reference(x, edge_index, W1, b1, W2, b2, Wf, bf):
    h = jax.nn.relu(_gcn_conv(x, edge_index, W1, b1))
    h = _gcn_conv(h, edge_index, W2, b2)
    h = h @ Wf + bf
    return h.mean(axis=0)[None, :]

if __name__ == "__main__":
    import jax
    _d = setup_inputs()
    print(jax.jit(kernel)(*tuple(_d.values())))

</pallas_src>

<mosaic_0001>
#map = affine_map<(d0, d1) -> (0, 0, 0)>
#map1 = affine_map<(d0, d1) -> (0, 0)>
#map2 = affine_map<(d0, d1) -> (0)>
module attributes {stable_mosaic.version = 14 : i64} {
  func.func @edge_kernel(%arg0: i32, %arg1: i32, %arg2: memref<32x42x128xi32, #tpu.memory_space<hbm>>, %arg3: memref<32x42x128xi32, #tpu.memory_space<hbm>>, %arg4: memref<10240x128xf32, #tpu.memory_space<hbm>>, %arg5: memref<10240xf32, #tpu.memory_space<hbm>>, %arg6: memref<2x10240x128xf32, #tpu.memory_space<hbm>>, %arg7: memref<2x10240xf32, #tpu.memory_space<hbm>>, %arg8: memref<42x128xi32, #tpu.memory_space<vmem>>, %arg9: memref<42x128xi32, #tpu.memory_space<vmem>>, %arg10: memref<2x128x128xf32, #tpu.memory_space<vmem>>, %arg11: memref<2x128xf32, #tpu.memory_space<vmem>>, %arg12: memref<16x128xf32, #tpu.memory_space<vmem>>, %arg13: memref<128xf32, #tpu.memory_space<vmem>>, %arg14: memref<10240x128xf32, #tpu.memory_space<vmem_shared>>, %arg15: memref<10240xf32, #tpu.memory_space<vmem_shared>>, %arg16: memref<10240xf32, #tpu.memory_space<vmem_shared>>, %arg17: memref<!tpu.dma_semaphore, #tpu.memory_space<semaphore_mem>>, %arg18: memref<!tpu.dma_semaphore, #tpu.memory_space<semaphore_mem>>, %arg19: memref<!tpu.dma_semaphore, #tpu.memory_space<semaphore_mem>>, %arg20: memref<!tpu.dma_semaphore, #tpu.memory_space<semaphore_mem>>, %arg21: memref<!tpu.dma_semaphore, #tpu.memory_space<semaphore_mem>>, %arg22: memref<!tpu.dma_semaphore, #tpu.memory_space<semaphore_mem>>, %arg23: memref<!tpu.dma_semaphore, #tpu.memory_space<semaphore_mem>>, %arg24: memref<!tpu.dma_semaphore, #tpu.memory_space<semaphore_mem>>) attributes {dimension_semantics = [#tpu.dimension_semantics<core_parallel>, #tpu.dimension_semantics<subcore_parallel>], iteration_bounds = array<i64: 2, 16>, scalar_prefetch = 0 : i64, scratch_operands = 17 : i64, tpu.core_type = #tpu.core_type<sc_vector_subcore>, window_params = [{transform_indices = #map}, {transform_indices = #map}, {transform_indices = #map1}, {transform_indices = #map2}, {transform_indices = #map}, {transform_indices = #map1}]} {
    %mul3A = arith.constant 16 : i32
    %mul3A_0 = arith.muli %arg0, %mul3A : i32
    %add3A = arith.addi %mul3A_0, %arg1 : i32
    %dma_start3A = arith.constant 0 : i32
    %dma_start3A_1 = arith.constant 0 : i32
    %dma_start3A_2 = tpu.memref_slice %arg2[%add3A, %dma_start3A, %dma_start3A_1] : memref<32x42x128xi32, #tpu.memory_space<hbm>> -> memref<1x42x128xi32, #tpu.memory_space<hbm>>
    %dma_start3A_3 = tpu.memref_squeeze %dma_start3A_2 : memref<1x42x128xi32, #tpu.memory_space<hbm>> -> memref<42x128xi32, #tpu.memory_space<hbm>>
    %dma_start3A_4 = arith.constant 0 : i32
    %dma_start3A_5 = arith.constant 0 : i32
    %dma_start3A_6 = tpu.memref_slice %arg2[%add3A, %dma_start3A_4, %dma_start3A_5] : memref<32x42x128xi32, #tpu.memory_space<hbm>> -> memref<1x42x128xi32, #tpu.memory_space<hbm>>
    %dma_start3A_7 = tpu.memref_squeeze %dma_start3A_6 : memref<1x42x128xi32, #tpu.memory_space<hbm>> -> memref<42x128xi32, #tpu.memory_space<hbm>>
    tpu.enqueue_dma source(%dma_start3A_7 : memref<42x128xi32, #tpu.memory_space<hbm>>) target(%arg8 : memref<42x128xi32, #tpu.memory_space<vmem>>) target_semaphore(%arg17 : memref<!tpu.dma_semaphore, #tpu.memory_space<semaphore_mem>>)
    %dma_start3A_8 = arith.constant 0 : i32
    %dma_start3A_9 = arith.constant 0 : i32
    %dma_start3A_10 = tpu.memref_slice %arg3[%add3A, %dma_start3A_8, %dma_start3A_9] : memref<32x42x128xi32, #tpu.memory_space<hbm>> -> memref<1x42x128xi32, #tpu.memory_space<hbm>>
    %dma_start3A_11 = tpu.memref_squeeze %dma_start3A_10 : memref<1x42x128xi32, #tpu.memory_space<hbm>> -> memref<42x128xi32, #tpu.memory_space<hbm>>
    %dma_start3A_12 = arith.constant 0 : i32
    %dma_start3A_13 = arith.constant 0 : i32
    %dma_start3A_14 = tpu.memref_slice %arg3[%add3A, %dma_start3A_12, %dma_start3A_13] : memref<32x42x128xi32, #tpu.memory_space<hbm>> -> memref<1x42x128xi32, #tpu.memory_space<hbm>>
    %dma_start3A_15 = tpu.memref_squeeze %dma_start3A_14 : memref<1x42x128xi32, #tpu.memory_space<hbm>> -> memref<42x128xi32, #tpu.memory_space<hbm>>
    tpu.enqueue_dma source(%dma_start3A_15 : memref<42x128xi32, #tpu.memory_space<hbm>>) target(%arg9 : memref<42x128xi32, #tpu.memory_space<vmem>>) target_semaphore(%arg18 : memref<!tpu.dma_semaphore, #tpu.memory_space<semaphore_mem>>)
    %eq3A = arith.constant 0 : i32
    %eq3A_16 = arith.cmpi eq, %arg1, %eq3A : i32
    %convert_element_type3A = arith.extui %eq3A_16 : i1 to i32
    %cond3A = arith.constant 0 : i32
    %cond3A_17 = arith.cmpi ne, %convert_element_type3A, %cond3A : i32
    scf.if %cond3A_17 {
      tpu.enqueue_dma source(%arg5 : memref<10240xf32, #tpu.memory_space<hbm>>) target(%arg16 : memref<10240xf32, #tpu.memory_space<vmem_shared>>) target_semaphore(%arg19 : memref<!tpu.dma_semaphore, #tpu.memory_space<semaphore_mem>>)
    } else {
    }
    %scan3A = arith.constant 0 : i32
    %scan3A_18 = arith.constant 0 : i32
    %scan3A_19 = arith.constant 128 : i32
    %scan3A_20 = arith.addi %scan3A_18, %scan3A_19 : i32
    %scan3A_21 = arith.constant 1 : i32
    %scan3A_22 = scf.for %scan3A_147 = %scan3A_18 to %scan3A_20 step %scan3A_21 iter_args(%scan3A_148 = %scan3A) -> (i32)  : i32 {
      %jit3A = arith.constant 8 : i32
      %div3A = arith.divsi %scan3A_147, %jit3A : i32
      %sign3A = arith.constant 0 : i32
      %sign3A_149 = arith.cmpi sgt, %scan3A_147, %sign3A : i32
      %sign3A_150 = arith.extui %sign3A_149 : i1 to i32
      %sign3A_151 = arith.constant 0 : i32
      %sign3A_152 = arith.cmpi slt, %scan3A_147, %sign3A_151 : i32
      %sign3A_153 = arith.extui %sign3A_152 : i1 to i32
      %sign3A_154 = arith.subi %sign3A_150, %sign3A_153 : i32
      %sign3A_155 = arith.constant 0 : i32
      %sign3A_156 = arith.cmpi sgt, %jit3A, %sign3A_155 : i32
      %sign3A_157 = arith.extui %sign3A_156 : i1 to i32
      %sign3A_158 = arith.constant 0 : i32
      %sign3A_159 = arith.cmpi slt, %jit3A, %sign3A_158 : i32
      %sign3A_160 = arith.extui %sign3A_159 : i1 to i32
      %sign3A_161 = arith.subi %sign3A_157, %sign3A_160 : i32
      %ne3A = arith.cmpi ne, %sign3A_154, %sign3A_161 : i32
      %rem3A = arith.remsi %scan3A_147, %jit3A : i32
      %ne3A_162 = arith.constant 0 : i32
      %ne3A_163 = arith.cmpi ne, %rem3A, %ne3A_162 : i32
      %and3A = arith.andi %ne3A, %ne3A_163 : i1
      %sub3A = arith.constant 1 : i32
      %sub3A_164 = arith.subi %div3A, %sub3A : i32
      %select_n3A = arith.select %and3A, %sub3A_164, %div3A : i32
      %jit3A_165 = arith.constant 8 : i32
      %eq3A_166 = arith.constant 0 : i32
      %eq3A_167 = arith.cmpi eq, %jit3A_165, %eq3A_166 : i32
      %jit3A_168 = arith.constant 1 : i32
      %select_n3A_169 = arith.select %eq3A_167, %jit3A_168, %jit3A_165 : i32
      %rem3A_170 = arith.remsi %scan3A_147, %select_n3A_169 : i32
      %ne3A_171 = arith.constant 0 : i32
      %ne3A_172 = arith.cmpi ne, %rem3A_170, %ne3A_171 : i32
      %lt3A = arith.constant 0 : i32
      %lt3A_173 = arith.cmpi slt, %rem3A_170, %lt3A : i32
      %lt3A_174 = arith.constant 0 : i32
      %lt3A_175 = arith.cmpi slt, %select_n3A_169, %lt3A_174 : i32
      %ne3A_176 = arith.xori %lt3A_173, %lt3A_175 : i1
      %and3A_177 = arith.andi %ne3A_176, %ne3A_172 : i1
      %add3A_178 = arith.addi %rem3A_170, %select_n3A_169 : i32
      %select_n3A_179 = arith.select %and3A_177, %add3A_178, %rem3A_170 : i32
      %broadcast_in_dim3A = arith.constant 0.000000e+00 : f32
      %broadcast_in_dim3A_180 = vector.broadcast %broadcast_in_dim3A : f32 to vector<16xf32>
      %mul3A_181 = arith.constant 16 : i32
      %mul3A_182 = arith.muli %select_n3A_179, %mul3A_181 : i32
      %swap3A = arith.index_cast %select_n3A : i32 to index
      %swap3A_183 = arith.index_cast %mul3A_182 : i32 to index
      %swap3A_184 = tpu.vector_load %arg12[%swap3A, %swap3A_183] {strides = array<i32>} : memref<16x128xf32, #tpu.memory_space<vmem>>, vector<16xf32>,
      tpu.vector_store %arg12[%swap3A, %swap3A_183], %broadcast_in_dim3A_180 {strides = array<i32>} : memref<16x128xf32, #tpu.memory_space<vmem>>, vector<16xf32>,
      %scan3A_185 = arith.constant 0 : i32
      scf.yield %scan3A_185 : i32
    }
    %scan3A_23 = arith.constant 128 : i32
    %scan3A_24 = arith.constant 0 : i32
    %scan3A_25 = arith.constant 0 : i32
    %scan3A_26 = arith.constant 40 : i32
    %scan3A_27 = arith.addi %scan3A_25, %scan3A_26 : i32
    %scan3A_28 = arith.constant 1 : i32
    %scan3A_29 = scf.for %scan3A_147 = %scan3A_25 to %scan3A_27 step %scan3A_28 iter_args(%scan3A_148 = %scan3A_24) -> (i32)  : i32 {
      %mul3A_149 = arith.constant 640 : i32
      %mul3A_150 = arith.muli %arg1, %mul3A_149 : i32
      %mul3A_151 = arith.constant 16 : i32
      %mul3A_152 = arith.muli %scan3A_147, %mul3A_151 : i32
      %add3A_153 = arith.addi %mul3A_150, %mul3A_152 : i32
      "tpu.region"() ({
        %run_scoped3A = tpu.sem_alloc : memref<!tpu.dma_semaphore, #tpu.memory_space<semaphore_mem>>
        %dma_start3A_155 = arith.constant 0 : i32
        %dma_start3A_156 = tpu.memref_slice %arg14[%add3A_153, %dma_start3A_155] : memref<10240x128xf32, #tpu.memory_space<vmem_shared>> -> memref<16x128xf32, #tpu.memory_space<vmem_shared>>
        %dma_start3A_157 = arith.constant 0 : i32
        %dma_start3A_158 = tpu.memref_slice %arg14[%add3A_153, %dma_start3A_157] : memref<10240x128xf32, #tpu.memory_space<vmem_shared>> -> memref<16x128xf32, #tpu.memory_space<vmem_shared>>
        tpu.enqueue_dma source(%arg12 : memref<16x128xf32, #tpu.memory_space<vmem>>) target(%dma_start3A_158 : memref<16x128xf32, #tpu.memory_space<vmem_shared>>) target_semaphore(%run_scoped3A : memref<!tpu.dma_semaphore, #tpu.memory_space<semaphore_mem>>)
        %dma_wait3A_159 = arith.constant 0 : i32
        %dma_wait3A_160 = tpu.memref_slice %arg14[%add3A_153, %dma_wait3A_159] : memref<10240x128xf32, #tpu.memory_space<vmem_shared>> -> memref<16x128xf32, #tpu.memory_space<vmem_shared>>
        %dma_wait3A_161 = arith.constant 0 : i32
        %dma_wait3A_162 = tpu.memref_slice %arg14[%add3A_153, %dma_wait3A_161] : memref<10240x128xf32, #tpu.memory_space<vmem_shared>> -> memref<16x128xf32, #tpu.memory_space<vmem_shared>>
        tpu.wait_dma2 semaphore(%run_scoped3A : memref<!tpu.dma_semaphore, #tpu.memory_space<semaphore_mem>>) src(%arg12 : memref<16x128xf32, #tpu.memory_space<vmem>>) dst(%dma_wait3A_162 : memref<16x128xf32, #tpu.memory_space<vmem_shared>>)
        tpu.yield
      }) : () -> ()
      %scan3A_154 = arith.constant 0 : i32
      scf.yield %scan3A_154 : i32
    }
    %scan3A_30 = arith.constant 40 : i32
    %scan3A_31 = arith.constant 0 : i32
    %scan3A_32 = arith.constant 0 : i32
    %scan3A_33 = arith.constant 8 : i32
    %scan3A_34 = arith.addi %scan3A_32, %scan3A_33 : i32
    %scan3A_35 = arith.constant 1 : i32
    %scan3A_36 = scf.for %scan3A_147 = %scan3A_32 to %scan3A_34 step %scan3A_35 iter_args(%scan3A_148 = %scan3A_31) -> (i32)  : i32 {
      %broadcast_in_dim3A = arith.constant 0.000000e+00 : f32
      %broadcast_in_dim3A_149 = vector.broadcast %broadcast_in_dim3A : f32 to vector<16xf32>
      %mul3A_150 = arith.constant 16 : i32
      %mul3A_151 = arith.muli %scan3A_147, %mul3A_150 : i32
      %swap3A = arith.index_cast %mul3A_151 : i32 to index
      %swap3A_152 = tpu.vector_load %arg13[%swap3A] {strides = array<i32>} : memref<128xf32, #tpu.memory_space<vmem>>, vector<16xf32>,
      %swap3A_153 = vector.shape_cast %swap3A_152 : vector<16xf32> to vector<16xf32>
      %swap3A_154 = vector.shape_cast %broadcast_in_dim3A_149 : vector<16xf32> to vector<16xf32>
      tpu.vector_store %arg13[%swap3A], %swap3A_154 {strides = array<i32>} : memref<128xf32, #tpu.memory_space<vmem>>, vector<16xf32>,
      %scan3A_155 = arith.constant 0 : i32
      scf.yield %scan3A_155 : i32
    }
    %scan3A_37 = arith.constant 8 : i32
    %scan3A_38 = arith.constant 0 : i32
    %scan3A_39 = arith.constant 0 : i32
    %scan3A_40 = arith.constant 5 : i32
    %scan3A_41 = arith.addi %scan3A_39, %scan3A_40 : i32
    %scan3A_42 = arith.constant 1 : i32
    %scan3A_43 = scf.for %scan3A_147 = %scan3A_39 to %scan3A_41 step %scan3A_42 iter_args(%scan3A_148 = %scan3A_38) -> (i32)  : i32 {
      %mul3A_149 = arith.constant 640 : i32
      %mul3A_150 = arith.muli %arg1, %mul3A_149 : i32
      %mul3A_151 = arith.constant 128 : i32
      %mul3A_152 = arith.muli %scan3A_147, %mul3A_151 : i32
      %add3A_153 = arith.addi %mul3A_150, %mul3A_152 : i32
      "tpu.region"() ({
        %run_scoped3A = tpu.sem_alloc : memref<!tpu.dma_semaphore, #tpu.memory_space<semaphore_mem>>
        %dma_start3A_155 = tpu.memref_slice %arg15[%add3A_153] : memref<10240xf32, #tpu.memory_space<vmem_shared>> -> memref<128xf32, #tpu.memory_space<vmem_shared>>
        %dma_start3A_156 = tpu.memref_slice %arg15[%add3A_153] : memref<10240xf32, #tpu.memory_space<vmem_shared>> -> memref<128xf32, #tpu.memory_space<vmem_shared>>
        tpu.enqueue_dma source(%arg13 : memref<128xf32, #tpu.memory_space<vmem>>) target(%dma_start3A_156 : memref<128xf32, #tpu.memory_space<vmem_shared>>) target_semaphore(%run_scoped3A : memref<!tpu.dma_semaphore, #tpu.memory_space<semaphore_mem>>)
        %dma_wait3A_157 = tpu.memref_slice %arg15[%add3A_153] : memref<10240xf32, #tpu.memory_space<vmem_shared>> -> memref<128xf32, #tpu.memory_space<vmem_shared>>
        %dma_wait3A_158 = tpu.memref_slice %arg15[%add3A_153] : memref<10240xf32, #tpu.memory_space<vmem_shared>> -> memref<128xf32, #tpu.memory_space<vmem_shared>>
        tpu.wait_dma2 semaphore(%run_scoped3A : memref<!tpu.dma_semaphore, #tpu.memory_space<semaphore_mem>>) src(%arg13 : memref<128xf32, #tpu.memory_space<vmem>>) dst(%dma_wait3A_158 : memref<128xf32, #tpu.memory_space<vmem_shared>>)
        tpu.yield
      }) : () -> ()
      %scan3A_154 = arith.constant 0 : i32
      scf.yield %scan3A_154 : i32
    }
    %scan3A_44 = arith.constant 5 : i32
    %dma_wait3A = arith.constant 0 : i32
    %dma_wait3A_45 = arith.constant 0 : i32
    %dma_wait3A_46 = tpu.memref_slice %arg2[%add3A, %dma_wait3A, %dma_wait3A_45] : memref<32x42x128xi32, #tpu.memory_space<hbm>> -> memref<1x42x128xi32, #tpu.memory_space<hbm>>
    %dma_wait3A_47 = tpu.memref_squeeze %dma_wait3A_46 : memref<1x42x128xi32, #tpu.memory_space<hbm>> -> memref<42x128xi32, #tpu.memory_space<hbm>>
    %dma_wait3A_48 = arith.constant 0 : i32
    %dma_wait3A_49 = arith.constant 0 : i32
    %dma_wait3A_50 = tpu.memref_slice %arg2[%add3A, %dma_wait3A_48, %dma_wait3A_49] : memref<32x42x128xi32, #tpu.memory_space<hbm>> -> memref<1x42x128xi32, #tpu.memory_space<hbm>>
    %dma_wait3A_51 = tpu.memref_squeeze %dma_wait3A_50 : memref<1x42x128xi32, #tpu.memory_space<hbm>> -> memref<42x128xi32, #tpu.memory_space<hbm>>
    tpu.wait_dma2 semaphore(%arg17 : memref<!tpu.dma_semaphore, #tpu.memory_space<semaphore_mem>>) src(%dma_wait3A_51 : memref<42x128xi32, #tpu.memory_space<hbm>>) dst(%arg8 : memref<42x128xi32, #tpu.memory_space<vmem>>)
    %dma_wait3A_52 = arith.constant 0 : i32
    %dma_wait3A_53 = arith.constant 0 : i32
    %dma_wait3A_54 = tpu.memref_slice %arg3[%add3A, %dma_wait3A_52, %dma_wait3A_53] : memref<32x42x128xi32, #tpu.memory_space<hbm>> -> memref<1x42x128xi32, #tpu.memory_space<hbm>>
    %dma_wait3A_55 = tpu.memref_squeeze %dma_wait3A_54 : memref<1x42x128xi32, #tpu.memory_space<hbm>> -> memref<42x128xi32, #tpu.memory_space<hbm>>
    %dma_wait3A_56 = arith.constant 0 : i32
    %dma_wait3A_57 = arith.constant 0 : i32
    %dma_wait3A_58 = tpu.memref_slice %arg3[%add3A, %dma_wait3A_56, %dma_wait3A_57] : memref<32x42x128xi32, #tpu.memory_space<hbm>> -> memref<1x42x128xi32, #tpu.memory_space<hbm>>
    %dma_wait3A_59 = tpu.memref_squeeze %dma_wait3A_58 : memref<1x42x128xi32, #tpu.memory_space<hbm>> -> memref<42x128xi32, #tpu.memory_space<hbm>>
    tpu.wait_dma2 semaphore(%arg18 : memref<!tpu.dma_semaphore, #tpu.memory_space<semaphore_mem>>) src(%dma_wait3A_59 : memref<42x128xi32, #tpu.memory_space<hbm>>) dst(%arg9 : memref<42x128xi32, #tpu.memory_space<vmem>>)
    %eq3A_60 = arith.constant 0 : i32
    %eq3A_61 = arith.cmpi eq, %arg1, %eq3A_60 : i32
    %convert_element_type3A_62 = arith.extui %eq3A_61 : i1 to i32
    %cond3A_63 = arith.constant 0 : i32
    %cond3A_64 = arith.cmpi ne, %convert_element_type3A_62, %cond3A_63 : i32
    scf.if %cond3A_64 {
      tpu.wait_dma2 semaphore(%arg19 : memref<!tpu.dma_semaphore, #tpu.memory_space<semaphore_mem>>) src(%arg5 : memref<10240xf32, #tpu.memory_space<hbm>>) dst(%arg16 : memref<10240xf32, #tpu.memory_space<vmem_shared>>)
    } else {
    }
    %barrier3A = arith.constant 0 : index
    tpu.barrier barrier_id(%barrier3A)
    %dma_start3A_65 = arith.constant 0 : i32
    %dma_start3A_66 = arith.constant 0 : i32
    %dma_start3A_67 = arith.constant 0 : i32
    %dma_start3A_68 = arith.constant 0 : i32
    %dma_start3A_69 = tpu.memref_slice %arg10[%dma_start3A_66, %dma_start3A_67, %dma_start3A_68] : memref<2x128x128xf32, #tpu.memory_space<vmem>> -> memref<1x128x128xf32, #tpu.memory_space<vmem>>
    %dma_start3A_70 = tpu.memref_squeeze %dma_start3A_69 : memref<1x128x128xf32, #tpu.memory_space<vmem>> -> memref<128x128xf32, #tpu.memory_space<vmem>>
    %dma_start3A_71 = arith.constant 0 : i32
    %dma_start3A_72 = tpu.memref_slice %arg8[%dma_start3A_65, %dma_start3A_71] : memref<42x128xi32, #tpu.memory_space<vmem>> -> memref<1x128xi32, #tpu.memory_space<vmem>>
    %dma_start3A_73 = tpu.memref_squeeze %dma_start3A_72 : memref<1x128xi32, #tpu.memory_space<vmem>> -> memref<128xi32, #tpu.memory_space<vmem>>
    %dma_start3A_74 = arith.constant 0 : i32
    %dma_start3A_75 = arith.constant 0 : i32
    %dma_start3A_76 = tpu.memref_slice %arg4[%dma_start3A_74, %dma_start3A_75] : memref<10240x128xf32, #tpu.memory_space<hbm>> -> memref<10240x128xf32, #tpu.memory_space<hbm>>
    tpu.enqueue_indirect_dma source(%dma_start3A_76 : memref<10240x128xf32, #tpu.memory_space<hbm>>) target(%dma_start3A_70 : memref<128x128xf32, #tpu.memory_space<vmem>>) offsets(%dma_start3A_73 : memref<128xi32, #tpu.memory_space<vmem>>) semaphore(%arg17 : memref<!tpu.dma_semaphore, #tpu.memory_space<semaphore_mem>>)
    %dma_start3A_77 = arith.constant 0 : i32
    %dma_start3A_78 = arith.constant 0 : i32
    %dma_start3A_79 = arith.constant 0 : i32
    %dma_start3A_80 = tpu.memref_slice %arg11[%dma_start3A_78, %dma_start3A_79] : memref<2x128xf32, #tpu.memory_space<vmem>> -> memref<1x128xf32, #tpu.memory_space<vmem>>
    %dma_start3A_81 = tpu.memref_squeeze %dma_start3A_80 : memref<1x128xf32, #tpu.memory_space<vmem>> -> memref<128xf32, #tpu.memory_space<vmem>>
    %dma_start3A_82 = arith.constant 0 : i32
    %dma_start3A_83 = tpu.memref_slice %arg9[%dma_start3A_77, %dma_start3A_82] : memref<42x128xi32, #tpu.memory_space<vmem>> -> memref<1x128xi32, #tpu.memory_space<vmem>>
    %dma_start3A_84 = tpu.memref_squeeze %dma_start3A_83 : memref<1x128xi32, #tpu.memory_space<vmem>> -> memref<128xi32, #tpu.memory_space<vmem>>
    %dma_start3A_85 = arith.constant 0 : i32
    %dma_start3A_86 = tpu.memref_slice %arg16[%dma_start3A_85] : memref<10240xf32, #tpu.memory_space<vmem_shared>> -> memref<10240xf32, #tpu.memory_space<vmem_shared>>
    tpu.enqueue_indirect_dma source(%dma_start3A_86 : memref<10240xf32, #tpu.memory_space<vmem_shared>>) target(%dma_start3A_81 : memref<128xf32, #tpu.memory_space<vmem>>) offsets(%dma_start3A_84 : memref<128xi32, #tpu.memory_space<vmem>>) semaphore(%arg19 : memref<!tpu.dma_semaphore, #tpu.memory_space<semaphore_mem>>)
    %scan3A_87 = arith.constant 0 : i32
    %scan3A_88 = arith.constant 0 : i32
    %scan3A_89 = arith.constant 21 : i32
    %scan3A_90 = arith.addi %scan3A_88, %scan3A_89 : i32
    %scan3A_91 = arith.constant 1 : i32
    %scan3A_92 = scf.for %scan3A_147 = %scan3A_88 to %scan3A_90 step %scan3A_91 iter_args(%scan3A_148 = %scan3A_87) -> (i32)  : i32 {
      %mul3A_149 = arith.constant 2 : i32
      %mul3A_150 = arith.muli %scan3A_147, %mul3A_149 : i32
      %add3A_151 = arith.constant 0 : i32
      %add3A_152 = arith.addi %mul3A_150, %add3A_151 : i32
      %add3A_153 = arith.constant 1 : i32
      %add3A_154 = arith.addi %add3A_152, %add3A_153 : i32
      %lt3A = arith.constant 42 : i32
      %lt3A_155 = arith.cmpi slt, %add3A_154, %lt3A : i32
      %convert_element_type3A_156 = arith.extui %lt3A_155 : i1 to i32
      %cond3A_157 = arith.constant 0 : i32
      %cond3A_158 = arith.cmpi ne, %convert_element_type3A_156, %cond3A_157 : i32
      scf.if %cond3A_158 {
        %ge3A = arith.constant 1 : i32
        %ge3A_251 = arith.cmpi sge, %add3A_152, %ge3A : i32
        %convert_element_type3A_252 = arith.extui %ge3A_251 : i1 to i32
        %cond3A_253 = arith.constant 0 : i32
        %cond3A_254 = arith.cmpi ne, %convert_element_type3A_252, %cond3A_253 : i32
        scf.if %cond3A_254 {
          %sub3A = arith.constant 1 : i32
          %sub3A_277 = arith.subi %add3A_152, %sub3A : i32
          %dma_wait3A_278 = arith.constant 1 : i32
          %dma_wait3A_279 = arith.constant 0 : i32
          %dma_wait3A_280 = arith.constant 0 : i32
          %dma_wait3A_281 = tpu.memref_slice %arg10[%dma_wait3A_278, %dma_wait3A_279, %dma_wait3A_280] : memref<2x128x128xf32, #tpu.memory_space<vmem>> -> memref<1x128x128xf32, #tpu.memory_space<vmem>>
          %dma_wait3A_282 = tpu.memref_squeeze %dma_wait3A_281 : memref<1x128x128xf32, #tpu.memory_space<vmem>> -> memref<128x128xf32, #tpu.memory_space<vmem>>
          %dma_wait3A_283 = arith.constant 0 : i32
          %dma_wait3A_284 = tpu.memref_slice %arg9[%sub3A_277, %dma_wait3A_283] : memref<42x128xi32, #tpu.memory_space<vmem>> -> memref<1x128xi32, #tpu.memory_space<vmem>>
          %dma_wait3A_285 = tpu.memref_squeeze %dma_wait3A_284 : memref<1x128xi32, #tpu.memory_space<vmem>> -> memref<128xi32, #tpu.memory_space<vmem>>
          %dma_wait3A_286 = arith.constant 0 : i32
          %dma_wait3A_287 = arith.constant 0 : i32
          %dma_wait3A_288 = tpu.memref_slice %arg14[%dma_wait3A_286, %dma_wait3A_287] : memref<10240x128xf32, #tpu.memory_space<vmem_shared>> -> memref<10240x128xf32, #tpu.memory_space<vmem_shared>>
          tpu.wait_indirect_dma semaphore(%arg22 : memref<!tpu.dma_semaphore, #tpu.memory_space<semaphore_mem>>) src(%dma_wait3A_282 : memref<128x128xf32, #tpu.memory_space<vmem>>) dst(%dma_wait3A_288 : memref<10240x128xf32, #tpu.memory_space<vmem_shared>>)
          %dma_wait3A_289 = arith.constant 1 : i32
          %dma_wait3A_290 = arith.constant 0 : i32
          %dma_wait3A_291 = tpu.memref_slice %arg11[%dma_wait3A_289, %dma_wait3A_290] : memref<2x128xf32, #tpu.memory_space<vmem>> -> memref<1x128xf32, #tpu.memory_space<vmem>>
          %dma_wait3A_292 = tpu.memref_squeeze %dma_wait3A_291 : memref<1x128xf32, #tpu.memory_space<vmem>> -> memref<128xf32, #tpu.memory_space<vmem>>
          %dma_wait3A_293 = arith.constant 0 : i32
          %dma_wait3A_294 = tpu.memref_slice %arg8[%sub3A_277, %dma_wait3A_293] : memref<42x128xi32, #tpu.memory_space<vmem>> -> memref<1x128xi32, #tpu.memory_space<vmem>>
          %dma_wait3A_295 = tpu.memref_squeeze %dma_wait3A_294 : memref<1x128xi32, #tpu.memory_space<vmem>> -> memref<128xi32, #tpu.memory_space<vmem>>
          %dma_wait3A_296 = arith.constant 0 : i32
          %dma_wait3A_297 = tpu.memref_slice %arg15[%dma_wait3A_296] : memref<10240xf32, #tpu.memory_space<vmem_shared>> -> memref<10240xf32, #tpu.memory_space<vmem_shared>>
          tpu.wait_indirect_dma semaphore(%arg24 : memref<!tpu.dma_semaphore, #tpu.memory_space<semaphore_mem>>) src(%dma_wait3A_292 : memref<128xf32, #tpu.memory_space<vmem>>) dst(%dma_wait3A_297 : memref<10240xf32, #tpu.memory_space<vmem_shared>>)
        } else {
        }
        %add3A_255 = arith.constant 1 : i32
        %add3A_256 = arith.addi %add3A_152, %add3A_255 : i32
        %dma_start3A_257 = arith.constant 1 : i32
        %dma_start3A_258 = arith.constant 0 : i32
        %dma_start3A_259 = arith.constant 0 : i32
        %dma_start3A_260 = tpu.memref_slice %arg10[%dma_start3A_257, %dma_start3A_258, %dma_start3A_259] : memref<2x128x128xf32, #tpu.memory_space<vmem>> -> memref<1x128x128xf32, #tpu.memory_space<vmem>>
        %dma_start3A_261 = tpu.memref_squeeze %dma_start3A_260 : memref<1x128x128xf32, #tpu.memory_space<vmem>> -> memref<128x128xf32, #tpu.memory_space<vmem>>
        %dma_start3A_262 = arith.constant 0 : i32
        %dma_start3A_263 = tpu.memref_slice %arg8[%add3A_256, %dma_start3A_262] : memref<42x128xi32, #tpu.memory_space<vmem>> -> memref<1x128xi32, #tpu.memory_space<vmem>>
        %dma_start3A_264 = tpu.memref_squeeze %dma_start3A_263 : memref<1x128xi32, #tpu.memory_space<vmem>> -> memref<128xi32, #tpu.memory_space<vmem>>
        %dma_start3A_265 = arith.constant 0 : i32
        %dma_start3A_266 = arith.constant 0 : i32
        %dma_start3A_267 = tpu.memref_slice %arg4[%dma_start3A_265, %dma_start3A_266] : memref<10240x128xf32, #tpu.memory_space<hbm>> -> memref<10240x128xf32, #tpu.memory_space<hbm>>
        tpu.enqueue_indirect_dma source(%dma_start3A_267 : memref<10240x128xf32, #tpu.memory_space<hbm>>) target(%dma_start3A_261 : memref<128x128xf32, #tpu.memory_space<vmem>>) offsets(%dma_start3A_264 : memref<128xi32, #tpu.memory_space<vmem>>) semaphore(%arg18 : memref<!tpu.dma_semaphore, #tpu.memory_space<semaphore_mem>>)
        %dma_start3A_268 = arith.constant 1 : i32
        %dma_start3A_269 = arith.constant 0 : i32
        %dma_start3A_270 = tpu.memref_slice %arg11[%dma_start3A_268, %dma_start3A_269] : memref<2x128xf32, #tpu.memory_space<vmem>> -> memref<1x128xf32, #tpu.memory_space<vmem>>
        %dma_start3A_271 = tpu.memref_squeeze %dma_start3A_270 : memref<1x128xf32, #tpu.memory_space<vmem>> -> memref<128xf32, #tpu.memory_space<vmem>>
        %dma_start3A_272 = arith.constant 0 : i32
        %dma_start3A_273 = tpu.memref_slice %arg9[%add3A_256, %dma_start3A_272] : memref<42x128xi32, #tpu.memory_space<vmem>> -> memref<1x128xi32, #tpu.memory_space<vmem>>
        %dma_start3A_274 = tpu.memref_squeeze %dma_start3A_273 : memref<1x128xi32, #tpu.memory_space<vmem>> -> memref<128xi32, #tpu.memory_space<vmem>>
        %dma_start3A_275 = arith.constant 0 : i32
        %dma_start3A_276 = tpu.memref_slice %arg16[%dma_start3A_275] : memref<10240xf32, #tpu.memory_space<vmem_shared>> -> memref<10240xf32, #tpu.memory_space<vmem_shared>>
        tpu.enqueue_indirect_dma source(%dma_start3A_276 : memref<10240xf32, #tpu.memory_space<vmem_shared>>) target(%dma_start3A_271 : memref<128xf32, #tpu.memory_space<vmem>>) offsets(%dma_start3A_274 : memref<128xi32, #tpu.memory_space<vmem>>) semaphore(%arg20 : memref<!tpu.dma_semaphore, #tpu.memory_space<semaphore_mem>>)
      } else {
      }
      %dma_wait3A_159 = arith.constant 0 : i32
      %dma_wait3A_160 = arith.constant 0 : i32
      %dma_wait3A_161 = arith.constant 0 : i32
      %dma_wait3A_162 = tpu.memref_slice %arg10[%dma_wait3A_159, %dma_wait3A_160, %dma_wait3A_161] : memref<2x128x128xf32, #tpu.memory_space<vmem>> -> memref<1x128x128xf32, #tpu.memory_space<vmem>>
      %dma_wait3A_163 = tpu.memref_squeeze %dma_wait3A_162 : memref<1x128x128xf32, #tpu.memory_space<vmem>> -> memref<128x128xf32, #tpu.memory_space<vmem>>
      %dma_wait3A_164 = arith.constant 0 : i32
      %dma_wait3A_165 = tpu.memref_slice %arg8[%add3A_152, %dma_wait3A_164] : memref<42x128xi32, #tpu.memory_space<vmem>> -> memref<1x128xi32, #tpu.memory_space<vmem>>
      %dma_wait3A_166 = tpu.memref_squeeze %dma_wait3A_165 : memref<1x128xi32, #tpu.memory_space<vmem>> -> memref<128xi32, #tpu.memory_space<vmem>>
      %dma_wait3A_167 = arith.constant 0 : i32
      %dma_wait3A_168 = arith.constant 0 : i32
      %dma_wait3A_169 = tpu.memref_slice %arg4[%dma_wait3A_167, %dma_wait3A_168] : memref<10240x128xf32, #tpu.memory_space<hbm>> -> memref<10240x128xf32, #tpu.memory_space<hbm>>
      tpu.wait_indirect_dma semaphore(%arg17 : memref<!tpu.dma_semaphore, #tpu.memory_space<semaphore_mem>>) src(%dma_wait3A_169 : memref<10240x128xf32, #tpu.memory_space<hbm>>) dst(%dma_wait3A_163 : memref<128x128xf32, #tpu.memory_space<vmem>>)
      %dma_wait3A_170 = arith.constant 0 : i32
      %dma_wait3A_171 = arith.constant 0 : i32
      %dma_wait3A_172 = tpu.memref_slice %arg11[%dma_wait3A_170, %dma_wait3A_171] : memref<2x128xf32, #tpu.memory_space<vmem>> -> memref<1x128xf32, #tpu.memory_space<vmem>>
      %dma_wait3A_173 = tpu.memref_squeeze %dma_wait3A_172 : memref<1x128xf32, #tpu.memory_space<vmem>> -> memref<128xf32, #tpu.memory_space<vmem>>
      %dma_wait3A_174 = arith.constant 0 : i32
      %dma_wait3A_175 = tpu.memref_slice %arg9[%add3A_152, %dma_wait3A_174] : memref<42x128xi32, #tpu.memory_space<vmem>> -> memref<1x128xi32, #tpu.memory_space<vmem>>
      %dma_wait3A_176 = tpu.memref_squeeze %dma_wait3A_175 : memref<1x128xi32, #tpu.memory_space<vmem>> -> memref<128xi32, #tpu.memory_space<vmem>>
      %dma_wait3A_177 = arith.constant 0 : i32
      %dma_wait3A_178 = tpu.memref_slice %arg16[%dma_wait3A_177] : memref<10240xf32, #tpu.memory_space<vmem_shared>> -> memref<10240xf32, #tpu.memory_space<vmem_shared>>
      tpu.wait_indirect_dma semaphore(%arg19 : memref<!tpu.dma_semaphore, #tpu.memory_space<semaphore_mem>>) src(%dma_wait3A_178 : memref<10240xf32, #tpu.memory_space<vmem_shared>>) dst(%dma_wait3A_173 : memref<128xf32, #tpu.memory_space<vmem>>)
      %dma_start3A_179 = arith.constant 0 : i32
      %dma_start3A_180 = arith.constant 0 : i32
      %dma_start3A_181 = arith.constant 0 : i32
      %dma_start3A_182 = tpu.memref_slice %arg10[%dma_start3A_179, %dma_start3A_180, %dma_start3A_181] : memref<2x128x128xf32, #tpu.memory_space<vmem>> -> memref<1x128x128xf32, #tpu.memory_space<vmem>>
      %dma_start3A_183 = tpu.memref_squeeze %dma_start3A_182 : memref<1x128x128xf32, #tpu.memory_space<vmem>> -> memref<128x128xf32, #tpu.memory_space<vmem>>
      %dma_start3A_184 = arith.constant 0 : i32
      %dma_start3A_185 = tpu.memref_slice %arg9[%add3A_152, %dma_start3A_184] : memref<42x128xi32, #tpu.memory_space<vmem>> -> memref<1x128xi32, #tpu.memory_space<vmem>>
      %dma_start3A_186 = tpu.memref_squeeze %dma_start3A_185 : memref<1x128xi32, #tpu.memory_space<vmem>> -> memref<128xi32, #tpu.memory_space<vmem>>
      %dma_start3A_187 = arith.constant 0 : i32
      %dma_start3A_188 = arith.constant 0 : i32
      %dma_start3A_189 = tpu.memref_slice %arg14[%dma_start3A_187, %dma_start3A_188] : memref<10240x128xf32, #tpu.memory_space<vmem_shared>> -> memref<10240x128xf32, #tpu.memory_space<vmem_shared>>
      tpu.enqueue_indirect_dma source(%dma_start3A_183 : memref<128x128xf32, #tpu.memory_space<vmem>>) target(%dma_start3A_189 : memref<10240x128xf32, #tpu.memory_space<vmem_shared>>) offsets(%dma_start3A_186 : memref<128xi32, #tpu.memory_space<vmem>>) semaphore(%arg21 : memref<!tpu.dma_semaphore, #tpu.memory_space<semaphore_mem>>) {add = true}
      %dma_start3A_190 = arith.constant 0 : i32
      %dma_start3A_191 = arith.constant 0 : i32
      %dma_start3A_192 = tpu.memref_slice %arg11[%dma_start3A_190, %dma_start3A_191] : memref<2x128xf32, #tpu.memory_space<vmem>> -> memref<1x128xf32, #tpu.memory_space<vmem>>
      %dma_start3A_193 = tpu.memref_squeeze %dma_start3A_192 : memref<1x128xf32, #tpu.memory_space<vmem>> -> memref<128xf32, #tpu.memory_space<vmem>>
      %dma_start3A_194 = arith.constant 0 : i32
      %dma_start3A_195 = tpu.memref_slice %arg8[%add3A_152, %dma_start3A_194] : memref<42x128xi32, #tpu.memory_space<vmem>> -> memref<1x128xi32, #tpu.memory_space<vmem>>
      %dma_start3A_196 = tpu.memref_squeeze %dma_start3A_195 : memref<1x128xi32, #tpu.memory_space<vmem>> -> memref<128xi32, #tpu.memory_space<vmem>>
      %dma_start3A_197 = arith.constant 0 : i32
      %dma_start3A_198 = tpu.memref_slice %arg15[%dma_start3A_197] : memref<10240xf32, #tpu.memory_space<vmem_shared>> -> memref<10240xf32, #tpu.memory_space<vmem_shared>>
      tpu.enqueue_indirect_dma source(%dma_start3A_193 : memref<128xf32, #tpu.memory_space<vmem>>) target(%dma_start3A_198 : memref<10240xf32, #tpu.memory_space<vmem_shared>>) offsets(%dma_start3A_196 : memref<128xi32, #tpu.memory_space<vmem>>) semaphore(%arg23 : memref<!tpu.dma_semaphore, #tpu.memory_space<semaphore_mem>>) {add = true}
      %mul3A_199 = arith.constant 2 : i32
      %mul3A_200 = arith.muli %scan3A_147, %mul3A_199 : i32
      %add3A_201 = arith.constant 1 : i32
      %add3A_202 = arith.addi %mul3A_200, %add3A_201 : i32
      %add3A_203 = arith.constant 1 : i32
      %add3A_204 = arith.addi %add3A_202, %add3A_203 : i32
      %lt3A_205 = arith.constant 42 : i32
      %lt3A_206 = arith.cmpi slt, %add3A_204, %lt3A_205 : i32
      %convert_element_type3A_207 = arith.extui %lt3A_206 : i1 to i32
      %cond3A_208 = arith.constant 0 : i32
      %cond3A_209 = arith.cmpi ne, %convert_element_type3A_207, %cond3A_208 : i32
      scf.if %cond3A_209 {
        %ge3A = arith.constant 1 : i32
        %ge3A_251 = arith.cmpi sge, %add3A_202, %ge3A : i32
        %convert_element_type3A_252 = arith.extui %ge3A_251 : i1 to i32
        %cond3A_253 = arith.constant 0 : i32
        %cond3A_254 = arith.cmpi ne, %convert_element_type3A_252, %cond3A_253 : i32
        scf.if %cond3A_254 {
          %sub3A = arith.constant 1 : i32
          %sub3A_277 = arith.subi %add3A_202, %sub3A : i32
          %dma_wait3A_278 = arith.constant 0 : i32
          %dma_wait3A_279 = arith.constant 0 : i32
          %dma_wait3A_280 = arith.constant 0 : i32
          %dma_wait3A_281 = tpu.memref_slice %arg10[%dma_wait3A_278, %dma_wait3A_279, %dma_wait3A_280] : memref<2x128x128xf32, #tpu.memory_space<vmem>> -> memref<1x128x128xf32, #tpu.memory_space<vmem>>
          %dma_wait3A_282 = tpu.memref_squeeze %dma_wait3A_281 : memref<1x128x128xf32, #tpu.memory_space<vmem>> -> memref<128x128xf32, #tpu.memory_space<vmem>>
          %dma_wait3A_283 = arith.constant 0 : i32
          %dma_wait3A_284 = tpu.memref_slice %arg9[%sub3A_277, %dma_wait3A_283] : memref<42x128xi32, #tpu.memory_space<vmem>> -> memref<1x128xi32, #tpu.memory_space<vmem>>
          %dma_wait3A_285 = tpu.memref_squeeze %dma_wait3A_284 : memref<1x128xi32, #tpu.memory_space<vmem>> -> memref<128xi32, #tpu.memory_space<vmem>>
          %dma_wait3A_286 = arith.constant 0 : i32
          %dma_wait3A_287 = arith.constant 0 : i32
          %dma_wait3A_288 = tpu.memref_slice %arg14[%dma_wait3A_286, %dma_wait3A_287] : memref<10240x128xf32, #tpu.memory_space<vmem_shared>> -> memref<10240x128xf32, #tpu.memory_space<vmem_shared>>
          tpu.wait_indirect_dma semaphore(%arg21 : memref<!tpu.dma_semaphore, #tpu.memory_space<semaphore_mem>>) src(%dma_wait3A_282 : memref<128x128xf32, #tpu.memory_space<vmem>>) dst(%dma_wait3A_288 : memref<10240x128xf32, #tpu.memory_space<vmem_shared>>)
          %dma_wait3A_289 = arith.constant 0 : i32
          %dma_wait3A_290 = arith.constant 0 : i32
          %dma_wait3A_291 = tpu.memref_slice %arg11[%dma_wait3A_289, %dma_wait3A_290] : memref<2x128xf32, #tpu.memory_space<vmem>> -> memref<1x128xf32, #tpu.memory_space<vmem>>
          %dma_wait3A_292 = tpu.memref_squeeze %dma_wait3A_291 : memref<1x128xf32, #tpu.memory_space<vmem>> -> memref<128xf32, #tpu.memory_space<vmem>>
          %dma_wait3A_293 = arith.constant 0 : i32
          %dma_wait3A_294 = tpu.memref_slice %arg8[%sub3A_277, %dma_wait3A_293] : memref<42x128xi32, #tpu.memory_space<vmem>> -> memref<1x128xi32, #tpu.memory_space<vmem>>
          %dma_wait3A_295 = tpu.memref_squeeze %dma_wait3A_294 : memref<1x128xi32, #tpu.memory_space<vmem>> -> memref<128xi32, #tpu.memory_space<vmem>>
          %dma_wait3A_296 = arith.constant 0 : i32
          %dma_wait3A_297 = tpu.memref_slice %arg15[%dma_wait3A_296] : memref<10240xf32, #tpu.memory_space<vmem_shared>> -> memref<10240xf32, #tpu.memory_space<vmem_shared>>
          tpu.wait_indirect_dma semaphore(%arg23 : memref<!tpu.dma_semaphore, #tpu.memory_space<semaphore_mem>>) src(%dma_wait3A_292 : memref<128xf32, #tpu.memory_space<vmem>>) dst(%dma_wait3A_297 : memref<10240xf32, #tpu.memory_space<vmem_shared>>)
        } else {
        }
        %add3A_255 = arith.constant 1 : i32
        %add3A_256 = arith.addi %add3A_202, %add3A_255 : i32
        %dma_start3A_257 = arith.constant 0 : i32
        %dma_start3A_258 = arith.constant 0 : i32
        %dma_start3A_259 = arith.constant 0 : i32
        %dma_start3A_260 = tpu.memref_slice %arg10[%dma_start3A_257, %dma_start3A_258, %dma_start3A_259] : memref<2x128x128xf32, #tpu.memory_space<vmem>> -> memref<1x128x128xf32, #tpu.memory_space<vmem>>
        %dma_start3A_261 = tpu.memref_squeeze %dma_start3A_260 : memref<1x128x128xf32, #tpu.memory_space<vmem>> -> memref<128x128xf32, #tpu.memory_space<vmem>>
        %dma_start3A_262 = arith.constant 0 : i32
        %dma_start3A_263 = tpu.memref_slice %arg8[%add3A_256, %dma_start3A_262] : memref<42x128xi32, #tpu.memory_space<vmem>> -> memref<1x128xi32, #tpu.memory_space<vmem>>
        %dma_start3A_264 = tpu.memref_squeeze %dma_start3A_263 : memref<1x128xi32, #tpu.memory_space<vmem>> -> memref<128xi32, #tpu.memory_space<vmem>>
        %dma_start3A_265 = arith.constant 0 : i32
        %dma_start3A_266 = arith.constant 0 : i32
        %dma_start3A_267 = tpu.memref_slice %arg4[%dma_start3A_265, %dma_start3A_266] : memref<10240x128xf32, #tpu.memory_space<hbm>> -> memref<10240x128xf32, #tpu.memory_space<hbm>>
        tpu.enqueue_indirect_dma source(%dma_start3A_267 : memref<10240x128xf32, #tpu.memory_space<hbm>>) target(%dma_start3A_261 : memref<128x128xf32, #tpu.memory_space<vmem>>) offsets(%dma_start3A_264 : memref<128xi32, #tpu.memory_space<vmem>>) semaphore(%arg17 : memref<!tpu.dma_semaphore, #tpu.memory_space<semaphore_mem>>)
        %dma_start3A_268 = arith.constant 0 : i32
        %dma_start3A_269 = arith.constant 0 : i32
        %dma_start3A_270 = tpu.memref_slice %arg11[%dma_start3A_268, %dma_start3A_269] : memref<2x128xf32, #tpu.memory_space<vmem>> -> memref<1x128xf32, #tpu.memory_space<vmem>>
        %dma_start3A_271 = tpu.memref_squeeze %dma_start3A_270 : memref<1x128xf32, #tpu.memory_space<vmem>> -> memref<128xf32, #tpu.memory_space<vmem>>
        %dma_start3A_272 = arith.constant 0 : i32
        %dma_start3A_273 = tpu.memref_slice %arg9[%add3A_256, %dma_start3A_272] : memref<42x128xi32, #tpu.memory_space<vmem>> -> memref<1x128xi32, #tpu.memory_space<vmem>>
        %dma_start3A_274 = tpu.memref_squeeze %dma_start3A_273 : memref<1x128xi32, #tpu.memory_space<vmem>> -> memref<128xi32, #tpu.memory_space<vmem>>
        %dma_start3A_275 = arith.constant 0 : i32
        %dma_start3A_276 = tpu.memref_slice %arg16[%dma_start3A_275] : memref<10240xf32, #tpu.memory_space<vmem_shared>> -> memref<10240xf32, #tpu.memory_space<vmem_shared>>
        tpu.enqueue_indirect_dma source(%dma_start3A_276 : memref<10240xf32, #tpu.memory_space<vmem_shared>>) target(%dma_start3A_271 : memref<128xf32, #tpu.memory_space<vmem>>) offsets(%dma_start3A_274 : memref<128xi32, #tpu.memory_space<vmem>>) semaphore(%arg19 : memref<!tpu.dma_semaphore, #tpu.memory_space<semaphore_mem>>)
      } else {
      }
      %dma_wait3A_210 = arith.constant 1 : i32
      %dma_wait3A_211 = arith.constant 0 : i32
      %dma_wait3A_212 = arith.constant 0 : i32
      %dma_wait3A_213 = tpu.memref_slice %arg10[%dma_wait3A_210, %dma_wait3A_211, %dma_wait3A_212] : memref<2x128x128xf32, #tpu.memory_space<vmem>> -> memref<1x128x128xf32, #tpu.memory_space<vmem>>
      %dma_wait3A_214 = tpu.memref_squeeze %dma_wait3A_213 : memref<1x128x128xf32, #tpu.memory_space<vmem>> -> memref<128x128xf32, #tpu.memory_space<vmem>>
      %dma_wait3A_215 = arith.constant 0 : i32
      %dma_wait3A_216 = tpu.memref_slice %arg8[%add3A_202, %dma_wait3A_215] : memref<42x128xi32, #tpu.memory_space<vmem>> -> memref<1x128xi32, #tpu.memory_space<vmem>>
      %dma_wait3A_217 = tpu.memref_squeeze %dma_wait3A_216 : memref<1x128xi32, #tpu.memory_space<vmem>> -> memref<128xi32, #tpu.memory_space<vmem>>
      %dma_wait3A_218 = arith.constant 0 : i32
      %dma_wait3A_219 = arith.constant 0 : i32
      %dma_wait3A_220 = tpu.memref_slice %arg4[%dma_wait3A_218, %dma_wait3A_219] : memref<10240x128xf32, #tpu.memory_space<hbm>> -> memref<10240x128xf32, #tpu.memory_space<hbm>>
      tpu.wait_indirect_dma semaphore(%arg18 : memref<!tpu.dma_semaphore, #tpu.memory_space<semaphore_mem>>) src(%dma_wait3A_220 : memref<10240x128xf32, #tpu.memory_space<hbm>>) dst(%dma_wait3A_214 : memref<128x128xf32, #tpu.memory_space<vmem>>)
      %dma_wait3A_221 = arith.constant 1 : i32
      %dma_wait3A_222 = arith.constant 0 : i32
      %dma_wait3A_223 = tpu.memref_slice %arg11[%dma_wait3A_221, %dma_wait3A_222] : memref<2x128xf32, #tpu.memory_space<vmem>> -> memref<1x128xf32, #tpu.memory_space<vmem>>
      %dma_wait3A_224 = tpu.memref_squeeze %dma_wait3A_223 : memref<1x128xf32, #tpu.memory_space<vmem>> -> memref<128xf32, #tpu.memory_space<vmem>>
      %dma_wait3A_225 = arith.constant 0 : i32
      %dma_wait3A_226 = tpu.memref_slice %arg9[%add3A_202, %dma_wait3A_225] : memref<42x128xi32, #tpu.memory_space<vmem>> -> memref<1x128xi32, #tpu.memory_space<vmem>>
      %dma_wait3A_227 = tpu.memref_squeeze %dma_wait3A_226 : memref<1x128xi32, #tpu.memory_space<vmem>> -> memref<128xi32, #tpu.memory_space<vmem>>
      %dma_wait3A_228 = arith.constant 0 : i32
      %dma_wait3A_229 = tpu.memref_slice %arg16[%dma_wait3A_228] : memref<10240xf32, #tpu.memory_space<vmem_shared>> -> memref<10240xf32, #tpu.memory_space<vmem_shared>>
      tpu.wait_indirect_dma semaphore(%arg20 : memref<!tpu.dma_semaphore, #tpu.memory_space<semaphore_mem>>) src(%dma_wait3A_229 : memref<10240xf32, #tpu.memory_space<vmem_shared>>) dst(%dma_wait3A_224 : memref<128xf32, #tpu.memory_space<vmem>>)
      %dma_start3A_230 = arith.constant 1 : i32
      %dma_start3A_231 = arith.constant 0 : i32
      %dma_start3A_232 = arith.constant 0 : i32
      %dma_start3A_233 = tpu.memref_slice %arg10[%dma_start3A_230, %dma_start3A_231, %dma_start3A_232] : memref<2x128x128xf32, #tpu.memory_space<vmem>> -> memref<1x128x128xf32, #tpu.memory_space<vmem>>
      %dma_start3A_234 = tpu.memref_squeeze %dma_start3A_233 : memref<1x128x128xf32, #tpu.memory_space<vmem>> -> memref<128x128xf32, #tpu.memory_space<vmem>>
      %dma_start3A_235 = arith.constant 0 : i32
      %dma_start3A_236 = tpu.memref_slice %arg9[%add3A_202, %dma_start3A_235] : memref<42x128xi32, #tpu.memory_space<vmem>> -> memref<1x128xi32, #tpu.memory_space<vmem>>
      %dma_start3A_237 = tpu.memref_squeeze %dma_start3A_236 : memref<1x128xi32, #tpu.memory_space<vmem>> -> memref<128xi32, #tpu.memory_space<vmem>>
      %dma_start3A_238 = arith.constant 0 : i32
      %dma_start3A_239 = arith.constant 0 : i32
      %dma_start3A_240 = tpu.memref_slice %arg14[%dma_start3A_238, %dma_start3A_239] : memref<10240x128xf32, #tpu.memory_space<vmem_shared>> -> memref<10240x128xf32, #tpu.memory_space<vmem_shared>>
      tpu.enqueue_indirect_dma source(%dma_start3A_234 : memref<128x128xf32, #tpu.memory_space<vmem>>) target(%dma_start3A_240 : memref<10240x128xf32, #tpu.memory_space<vmem_shared>>) offsets(%dma_start3A_237 : memref<128xi32, #tpu.memory_space<vmem>>) semaphore(%arg22 : memref<!tpu.dma_semaphore, #tpu.memory_space<semaphore_mem>>) {add = true}
      %dma_start3A_241 = arith.constant 1 : i32
      %dma_start3A_242 = arith.constant 0 : i32
      %dma_start3A_243 = tpu.memref_slice %arg11[%dma_start3A_241, %dma_start3A_242] : memref<2x128xf32, #tpu.memory_space<vmem>> -> memref<1x128xf32, #tpu.memory_space<vmem>>
      %dma_start3A_244 = tpu.memref_squeeze %dma_start3A_243 : memref<1x128xf32, #tpu.memory_space<vmem>> -> memref<128xf32, #tpu.memory_space<vmem>>
      %dma_start3A_245 = arith.constant 0 : i32
      %dma_start3A_246 = tpu.memref_slice %arg8[%add3A_202, %dma_start3A_245] : memref<42x128xi32, #tpu.memory_space<vmem>> -> memref<1x128xi32, #tpu.memory_space<vmem>>
      %dma_start3A_247 = tpu.memref_squeeze %dma_start3A_246 : memref<1x128xi32, #tpu.memory_space<vmem>> -> memref<128xi32, #tpu.memory_space<vmem>>
      %dma_start3A_248 = arith.constant 0 : i32
      %dma_start3A_249 = tpu.memref_slice %arg15[%dma_start3A_248] : memref<10240xf32, #tpu.memory_space<vmem_shared>> -> memref<10240xf32, #tpu.memory_space<vmem_shared>>
      tpu.enqueue_indirect_dma source(%dma_start3A_244 : memref<128xf32, #tpu.memory_space<vmem>>) target(%dma_start3A_249 : memref<10240xf32, #tpu.memory_space<vmem_shared>>) offsets(%dma_start3A_247 : memref<128xi32, #tpu.memory_space<vmem>>) semaphore(%arg24 : memref<!tpu.dma_semaphore, #tpu.memory_space<semaphore_mem>>) {add = true}
      %scan3A_250 = arith.constant 0 : i32
      scf.yield %scan3A_250 : i32
    }
    %scan3A_93 = arith.constant 21 : i32
    %dma_wait3A_94 = arith.constant 0 : i32
    %dma_wait3A_95 = arith.constant 40 : i32
    %dma_wait3A_96 = arith.constant 0 : i32
    %dma_wait3A_97 = arith.constant 0 : i32
    %dma_wait3A_98 = tpu.memref_slice %arg10[%dma_wait3A_94, %dma_wait3A_96, %dma_wait3A_97] : memref<2x128x128xf32, #tpu.memory_space<vmem>> -> memref<1x128x128xf32, #tpu.memory_space<vmem>>
    %dma_wait3A_99 = tpu.memref_squeeze %dma_wait3A_98 : memref<1x128x128xf32, #tpu.memory_space<vmem>> -> memref<128x128xf32, #tpu.memory_space<vmem>>
    %dma_wait3A_100 = arith.constant 0 : i32
    %dma_wait3A_101 = tpu.memref_slice %arg9[%dma_wait3A_95, %dma_wait3A_100] : memref<42x128xi32, #tpu.memory_space<vmem>> -> memref<1x128xi32, #tpu.memory_space<vmem>>
    %dma_wait3A_102 = tpu.memref_squeeze %dma_wait3A_101 : memref<1x128xi32, #tpu.memory_space<vmem>> -> memref<128xi32, #tpu.memory_space<vmem>>
    %dma_wait3A_103 = arith.constant 0 : i32
    %dma_wait3A_104 = arith.constant 0 : i32
    %dma_wait3A_105 = tpu.memref_slice %arg14[%dma_wait3A_103, %dma_wait3A_104] : memref<10240x128xf32, #tpu.memory_space<vmem_shared>> -> memref<10240x128xf32, #tpu.memory_space<vmem_shared>>
    tpu.wait_indirect_dma semaphore(%arg21 : memref<!tpu.dma_semaphore, #tpu.memory_space<semaphore_mem>>) src(%dma_wait3A_99 : memref<128x128xf32, #tpu.memory_space<vmem>>) dst(%dma_wait3A_105 : memref<10240x128xf32, #tpu.memory_space<vmem_shared>>)
    %dma_wait3A_106 = arith.constant 0 : i32
    %dma_wait3A_107 = arith.constant 40 : i32
    %dma_wait3A_108 = arith.constant 0 : i32
    %dma_wait3A_109 = tpu.memref_slice %arg11[%dma_wait3A_106, %dma_wait3A_108] : memref<2x128xf32, #tpu.memory_space<vmem>> -> memref<1x128xf32, #tpu.memory_space<vmem>>
    %dma_wait3A_110 = tpu.memref_squeeze %dma_wait3A_109 : memref<1x128xf32, #tpu.memory_space<vmem>> -> memref<128xf32, #tpu.memory_space<vmem>>
    %dma_wait3A_111 = arith.constant 0 : i32
    %dma_wait3A_112 = tpu.memref_slice %arg8[%dma_wait3A_107, %dma_wait3A_111] : memref<42x128xi32, #tpu.memory_space<vmem>> -> memref<1x128xi32, #tpu.memory_space<vmem>>
    %dma_wait3A_113 = tpu.memref_squeeze %dma_wait3A_112 : memref<1x128xi32, #tpu.memory_space<vmem>> -> memref<128xi32, #tpu.memory_space<vmem>>
    %dma_wait3A_114 = arith.constant 0 : i32
    %dma_wait3A_115 = tpu.memref_slice %arg15[%dma_wait3A_114] : memref<10240xf32, #tpu.memory_space<vmem_shared>> -> memref<10240xf32, #tpu.memory_space<vmem_shared>>
    tpu.wait_indirect_dma semaphore(%arg23 : memref<!tpu.dma_semaphore, #tpu.memory_space<semaphore_mem>>) src(%dma_wait3A_110 : memref<128xf32, #tpu.memory_space<vmem>>) dst(%dma_wait3A_115 : memref<10240xf32, #tpu.memory_space<vmem_shared>>)
    %dma_wait3A_116 = arith.constant 1 : i32
    %dma_wait3A_117 = arith.constant 41 : i32
    %dma_wait3A_118 = arith.constant 0 : i32
    %dma_wait3A_119 = arith.constant 0 : i32
    %dma_wait3A_120 = tpu.memref_slice %arg10[%dma_wait3A_116, %dma_wait3A_118, %dma_wait3A_119] : memref<2x128x128xf32, #tpu.memory_space<vmem>> -> memref<1x128x128xf32, #tpu.memory_space<vmem>>
    %dma_wait3A_121 = tpu.memref_squeeze %dma_wait3A_120 : memref<1x128x128xf32, #tpu.memory_space<vmem>> -> memref<128x128xf32, #tpu.memory_space<vmem>>
    %dma_wait3A_122 = arith.constant 0 : i32
    %dma_wait3A_123 = tpu.memref_slice %arg9[%dma_wait3A_117, %dma_wait3A_122] : memref<42x128xi32, #tpu.memory_space<vmem>> -> memref<1x128xi32, #tpu.memory_space<vmem>>
    %dma_wait3A_124 = tpu.memref_squeeze %dma_wait3A_123 : memref<1x128xi32, #tpu.memory_space<vmem>> -> memref<128xi32, #tpu.memory_space<vmem>>
    %dma_wait3A_125 = arith.constant 0 : i32
    %dma_wait3A_126 = arith.constant 0 : i32
    %dma_wait3A_127 = tpu.memref_slice %arg14[%dma_wait3A_125, %dma_wait3A_126] : memref<10240x128xf32, #tpu.memory_space<vmem_shared>> -> memref<10240x128xf32, #tpu.memory_space<vmem_shared>>
    tpu.wait_indirect_dma semaphore(%arg22 : memref<!tpu.dma_semaphore, #tpu.memory_space<semaphore_mem>>) src(%dma_wait3A_121 : memref<128x128xf32, #tpu.memory_space<vmem>>) dst(%dma_wait3A_127 : memref<10240x128xf32, #tpu.memory_space<vmem_shared>>)
    %dma_wait3A_128 = arith.constant 1 : i32
    %dma_wait3A_129 = arith.constant 41 : i32
    %dma_wait3A_130 = arith.constant 0 : i32
    %dma_wait3A_131 = tpu.memref_slice %arg11[%dma_wait3A_128, %dma_wait3A_130] : memref<2x128xf32, #tpu.memory_space<vmem>> -> memref<1x128xf32, #tpu.memory_space<vmem>>
    %dma_wait3A_132 = tpu.memref_squeeze %dma_wait3A_131 : memref<1x128xf32, #tpu.memory_space<vmem>> -> memref<128xf32, #tpu.memory_space<vmem>>
    %dma_wait3A_133 = arith.constant 0 : i32
    %dma_wait3A_134 = tpu.memref_slice %arg8[%dma_wait3A_129, %dma_wait3A_133] : memref<42x128xi32, #tpu.memory_space<vmem>> -> memref<1x128xi32, #tpu.memory_space<vmem>>
    %dma_wait3A_135 = tpu.memref_squeeze %dma_wait3A_134 : memref<1x128xi32, #tpu.memory_space<vmem>> -> memref<128xi32, #tpu.memory_space<vmem>>
    %dma_wait3A_136 = arith.constant 0 : i32
    %dma_wait3A_137 = tpu.memref_slice %arg15[%dma_wait3A_136] : memref<10240xf32, #tpu.memory_space<vmem_shared>> -> memref<10240xf32, #tpu.memory_space<vmem_shared>>
    tpu.wait_indirect_dma semaphore(%arg24 : memref<!tpu.dma_semaphore, #tpu.memory_space<semaphore_mem>>) src(%dma_wait3A_132 : memref<128xf32, #tpu.memory_space<vmem>>) dst(%dma_wait3A_137 : memref<10240xf32, #tpu.memory_space<vmem_shared>>)
    %barrier3A_138 = arith.constant 0 : index
    tpu.barrier barrier_id(%barrier3A_138)
    %mul3A_139 = arith.constant 640 : i32
    %mul3A_140 = arith.muli %arg1, %mul3A_139 : i32
    %mul3A_141 = arith.constant 640 : i32
    %mul3A_142 = arith.muli %arg1, %mul3A_141 : i32
    "tpu.region"() ({
      %run_scoped3A = tpu.sem_alloc : memref<!tpu.dma_semaphore, #tpu.memory_space<semaphore_mem>>
      %dma_start3A_147 = arith.constant 0 : i32
      %dma_start3A_148 = tpu.memref_slice %arg6[%arg0, %mul3A_142, %dma_start3A_147] : memref<2x10240x128xf32, #tpu.memory_space<hbm>> -> memref<1x640x128xf32, #tpu.memory_space<hbm>>
      %dma_start3A_149 = tpu.memref_squeeze %dma_start3A_148 : memref<1x640x128xf32, #tpu.memory_space<hbm>> -> memref<640x128xf32, #tpu.memory_space<hbm>>
      %dma_start3A_150 = arith.constant 0 : i32
      %dma_start3A_151 = tpu.memref_slice %arg14[%mul3A_140, %dma_start3A_150] : memref<10240x128xf32, #tpu.memory_space<vmem_shared>> -> memref<640x128xf32, #tpu.memory_space<vmem_shared>>
      tpu.enqueue_dma source(%dma_start3A_151 : memref<640x128xf32, #tpu.memory_space<vmem_shared>>) target(%dma_start3A_149 : memref<640x128xf32, #tpu.memory_space<hbm>>) target_semaphore(%run_scoped3A : memref<!tpu.dma_semaphore, #tpu.memory_space<semaphore_mem>>)
      %dma_wait3A_152 = arith.constant 0 : i32
      %dma_wait3A_153 = tpu.memref_slice %arg6[%arg0, %mul3A_142, %dma_wait3A_152] : memref<2x10240x128xf32, #tpu.memory_space<hbm>> -> memref<1x640x128xf32, #tpu.memory_space<hbm>>
      %dma_wait3A_154 = tpu.memref_squeeze %dma_wait3A_153 : memref<1x640x128xf32, #tpu.memory_space<hbm>> -> memref<640x128xf32, #tpu.memory_space<hbm>>
      %dma_wait3A_155 = arith.constant 0 : i32
      %dma_wait3A_156 = tpu.memref_slice %arg14[%mul3A_140, %dma_wait3A_155] : memref<10240x128xf32, #tpu.memory_space<vmem_shared>> -> memref<640x128xf32, #tpu.memory_space<vmem_shared>>
      tpu.wait_dma2 semaphore(%run_scoped3A : memref<!tpu.dma_semaphore, #tpu.memory_space<semaphore_mem>>) src(%dma_wait3A_156 : memref<640x128xf32, #tpu.memory_space<vmem_shared>>) dst(%dma_wait3A_154 : memref<640x128xf32, #tpu.memory_space<hbm>>)
      tpu.yield
    }) : () -> ()
    %mul3A_143 = arith.constant 640 : i32
    %mul3A_144 = arith.muli %arg1, %mul3A_143 : i32
    %mul3A_145 = arith.constant 640 : i32
    %mul3A_146 = arith.muli %arg1, %mul3A_145 : i32
    "tpu.region"() ({
      %run_scoped3A = tpu.sem_alloc : memref<!tpu.dma_semaphore, #tpu.memory_space<semaphore_mem>>
      %dma_start3A_147 = tpu.memref_slice %arg7[%arg0, %mul3A_146] : memref<2x10240xf32, #tpu.memory_space<hbm>> -> memref<1x640xf32, #tpu.memory_space<hbm>>
      %dma_start3A_148 = tpu.memref_squeeze %dma_start3A_147 : memref<1x640xf32, #tpu.memory_space<hbm>> -> memref<640xf32, #tpu.memory_space<hbm>>
      %dma_start3A_149 = tpu.memref_slice %arg15[%mul3A_144] : memref<10240xf32, #tpu.memory_space<vmem_shared>> -> memref<640xf32, #tpu.memory_space<vmem_shared>>
      tpu.enqueue_dma source(%dma_start3A_149 : memref<640xf32, #tpu.memory_space<vmem_shared>>) target(%dma_start3A_148 : memref<640xf32, #tpu.memory_space<hbm>>) target_semaphore(%run_scoped3A : memref<!tpu.dma_semaphore, #tpu.memory_space<semaphore_mem>>)
      %dma_wait3A_150 = tpu.memref_slice %arg7[%arg0, %mul3A_146] : memref<2x10240xf32, #tpu.memory_space<hbm>> -> memref<1x640xf32, #tpu.memory_space<hbm>>
      %dma_wait3A_151 = tpu.memref_squeeze %dma_wait3A_150 : memref<1x640xf32, #tpu.memory_space<hbm>> -> memref<640xf32, #tpu.memory_space<hbm>>
      %dma_wait3A_152 = tpu.memref_slice %arg15[%mul3A_144] : memref<10240xf32, #tpu.memory_space<vmem_shared>> -> memref<640xf32, #tpu.memory_space<vmem_shared>>
      tpu.wait_dma2 semaphore(%run_scoped3A : memref<!tpu.dma_semaphore, #tpu.memory_space<semaphore_mem>>) src(%dma_wait3A_152 : memref<640xf32, #tpu.memory_space<vmem_shared>>) dst(%dma_wait3A_151 : memref<640xf32, #tpu.memory_space<hbm>>)
      tpu.yield
    }) : () -> ()
    return
  }
}

#map = affine_map<(d0, d1) -> (0, 0, 0)>
#map1 = affine_map<(d0, d1) -> (0, 0)>
module attributes {stable_mosaic.version = 14 : i64} {
  func.func @deg_kernel(%arg0: i32, %arg1: i32, %arg2: memref<32x42x128xi32, #tpu.memory_space<hbm>>, %arg3: memref<2x10240xf32, #tpu.memory_space<hbm>>, %arg4: memref<42x128xi32, #tpu.memory_space<vmem>>, %arg5: memref<128xf32, #tpu.memory_space<vmem>>, %arg6: memref<640xf32, #tpu.memory_space<vmem>>, %arg7: memref<10240xf32, #tpu.memory_space<vmem_shared>>, %arg8: memref<!tpu.dma_semaphore, #tpu.memory_space<semaphore_mem>>, %arg9: memref<!tpu.dma_semaphore, #tpu.memory_space<semaphore_mem>>) attributes {dimension_semantics = [#tpu.dimension_semantics<core_parallel>, #tpu.dimension_semantics<subcore_parallel>], iteration_bounds = array<i64: 2, 16>, scalar_prefetch = 0 : i64, scratch_operands = 6 : i64, tpu.core_type = #tpu.core_type<sc_vector_subcore>, window_params = [{transform_indices = #map}, {transform_indices = #map1}]} {
    %mul3A = arith.constant 16 : i32
    %mul3A_0 = arith.muli %arg0, %mul3A : i32
    %add3A = arith.addi %mul3A_0, %arg1 : i32
    %dma_start3A = arith.constant 0 : i32
    %dma_start3A_1 = arith.constant 0 : i32
    %dma_start3A_2 = tpu.memref_slice %arg2[%add3A, %dma_start3A, %dma_start3A_1] : memref<32x42x128xi32, #tpu.memory_space<hbm>> -> memref<1x42x128xi32, #tpu.memory_space<hbm>>
    %dma_start3A_3 = tpu.memref_squeeze %dma_start3A_2 : memref<1x42x128xi32, #tpu.memory_space<hbm>> -> memref<42x128xi32, #tpu.memory_space<hbm>>
    %dma_start3A_4 = arith.constant 0 : i32
    %dma_start3A_5 = arith.constant 0 : i32
    %dma_start3A_6 = tpu.memref_slice %arg2[%add3A, %dma_start3A_4, %dma_start3A_5] : memref<32x42x128xi32, #tpu.memory_space<hbm>> -> memref<1x42x128xi32, #tpu.memory_space<hbm>>
    %dma_start3A_7 = tpu.memref_squeeze %dma_start3A_6 : memref<1x42x128xi32, #tpu.memory_space<hbm>> -> memref<42x128xi32, #tpu.memory_space<hbm>>
    tpu.enqueue_dma source(%dma_start3A_7 : memref<42x128xi32, #tpu.memory_space<hbm>>) target(%arg4 : memref<42x128xi32, #tpu.memory_space<vmem>>) target_semaphore(%arg8 : memref<!tpu.dma_semaphore, #tpu.memory_space<semaphore_mem>>)
    %scan3A = arith.constant 0 : i32
    %scan3A_8 = arith.constant 0 : i32
    %scan3A_9 = arith.constant 8 : i32
    %scan3A_10 = arith.addi %scan3A_8, %scan3A_9 : i32
    %scan3A_11 = arith.constant 1 : i32
    %scan3A_12 = scf.for %scan3A_49 = %scan3A_8 to %scan3A_10 step %scan3A_11 iter_args(%scan3A_50 = %scan3A) -> (i32)  : i32 {
      %broadcast_in_dim3A = arith.constant 1.000000e+00 : f32
      %broadcast_in_dim3A_51 = vector.broadcast %broadcast_in_dim3A : f32 to vector<16xf32>
      %mul3A_52 = arith.constant 16 : i32
      %mul3A_53 = arith.muli %scan3A_49, %mul3A_52 : i32
      %swap3A = arith.index_cast %mul3A_53 : i32 to index
      %swap3A_54 = tpu.vector_load %arg5[%swap3A] {strides = array<i32>} : memref<128xf32, #tpu.memory_space<vmem>>, vector<16xf32>,
      %swap3A_55 = vector.shape_cast %swap3A_54 : vector<16xf32> to vector<16xf32>
      %swap3A_56 = vector.shape_cast %broadcast_in_dim3A_51 : vector<16xf32> to vector<16xf32>
      tpu.vector_store %arg5[%swap3A], %swap3A_56 {strides = array<i32>} : memref<128xf32, #tpu.memory_space<vmem>>, vector<16xf32>,
      %scan3A_57 = arith.constant 0 : i32
      scf.yield %scan3A_57 : i32
    }
    %scan3A_13 = arith.constant 8 : i32
    %scan3A_14 = arith.constant 0 : i32
    %scan3A_15 = arith.constant 0 : i32
    %scan3A_16 = arith.constant 40 : i32
    %scan3A_17 = arith.addi %scan3A_15, %scan3A_16 : i32
    %scan3A_18 = arith.constant 1 : i32
    %scan3A_19 = scf.for %scan3A_49 = %scan3A_15 to %scan3A_17 step %scan3A_18 iter_args(%scan3A_50 = %scan3A_14) -> (i32)  : i32 {
      %broadcast_in_dim3A = arith.constant 0.000000e+00 : f32
      %broadcast_in_dim3A_51 = vector.broadcast %broadcast_in_dim3A : f32 to vector<16xf32>
      %mul3A_52 = arith.constant 16 : i32
      %mul3A_53 = arith.muli %scan3A_49, %mul3A_52 : i32
      %swap3A = arith.index_cast %mul3A_53 : i32 to index
      %swap3A_54 = tpu.vector_load %arg6[%swap3A] {strides = array<i32>} : memref<640xf32, #tpu.memory_space<vmem>>, vector<16xf32>,
      %swap3A_55 = vector.shape_cast %swap3A_54 : vector<16xf32> to vector<16xf32>
      %swap3A_56 = vector.shape_cast %broadcast_in_dim3A_51 : vector<16xf32> to vector<16xf32>
      tpu.vector_store %arg6[%swap3A], %swap3A_56 {strides = array<i32>} : memref<640xf32, #tpu.memory_space<vmem>>, vector<16xf32>,
      %scan3A_57 = arith.constant 0 : i32
      scf.yield %scan3A_57 : i32
    }
    %scan3A_20 = arith.constant 40 : i32
    %mul3A_21 = arith.constant 640 : i32
    %mul3A_22 = arith.muli %arg1, %mul3A_21 : i32
    "tpu.region"() ({
      %run_scoped3A = tpu.sem_alloc : memref<!tpu.dma_semaphore, #tpu.memory_space<semaphore_mem>>
      %dma_start3A_49 = tpu.memref_slice %arg7[%mul3A_22] : memref<10240xf32, #tpu.memory_space<vmem_shared>> -> memref<640xf32, #tpu.memory_space<vmem_shared>>
      %dma_start3A_50 = tpu.memref_slice %arg7[%mul3A_22] : memref<10240xf32, #tpu.memory_space<vmem_shared>> -> memref<640xf32, #tpu.memory_space<vmem_shared>>
      tpu.enqueue_dma source(%arg6 : memref<640xf32, #tpu.memory_space<vmem>>) target(%dma_start3A_50 : memref<640xf32, #tpu.memory_space<vmem_shared>>) target_semaphore(%run_scoped3A : memref<!tpu.dma_semaphore, #tpu.memory_space<semaphore_mem>>)
      %dma_wait3A_51 = tpu.memref_slice %arg7[%mul3A_22] : memref<10240xf32, #tpu.memory_space<vmem_shared>> -> memref<640xf32, #tpu.memory_space<vmem_shared>>
      %dma_wait3A_52 = tpu.memref_slice %arg7[%mul3A_22] : memref<10240xf32, #tpu.memory_space<vmem_shared>> -> memref<640xf32, #tpu.memory_space<vmem_shared>>
      tpu.wait_dma2 semaphore(%run_scoped3A : memref<!tpu.dma_semaphore, #tpu.memory_space<semaphore_mem>>) src(%arg6 : memref<640xf32, #tpu.memory_space<vmem>>) dst(%dma_wait3A_52 : memref<640xf32, #tpu.memory_space<vmem_shared>>)
      tpu.yield
    }) : () -> ()
    %dma_wait3A = arith.constant 0 : i32
    %dma_wait3A_23 = arith.constant 0 : i32
    %dma_wait3A_24 = tpu.memref_slice %arg2[%add3A, %dma_wait3A, %dma_wait3A_23] : memref<32x42x128xi32, #tpu.memory_space<hbm>> -> memref<1x42x128xi32, #tpu.memory_space<hbm>>
    %dma_wait3A_25 = tpu.memref_squeeze %dma_wait3A_24 : memref<1x42x128xi32, #tpu.memory_space<hbm>> -> memref<42x128xi32, #tpu.memory_space<hbm>>
    %dma_wait3A_26 = arith.constant 0 : i32
    %dma_wait3A_27 = arith.constant 0 : i32
    %dma_wait3A_28 = tpu.memref_slice %arg2[%add3A, %dma_wait3A_26, %dma_wait3A_27] : memref<32x42x128xi32, #tpu.memory_space<hbm>> -> memref<1x42x128xi32, #tpu.memory_space<hbm>>
    %dma_wait3A_29 = tpu.memref_squeeze %dma_wait3A_28 : memref<1x42x128xi32, #tpu.memory_space<hbm>> -> memref<42x128xi32, #tpu.memory_space<hbm>>
    tpu.wait_dma2 semaphore(%arg8 : memref<!tpu.dma_semaphore, #tpu.memory_space<semaphore_mem>>) src(%dma_wait3A_29 : memref<42x128xi32, #tpu.memory_space<hbm>>) dst(%arg4 : memref<42x128xi32, #tpu.memory_space<vmem>>)
    %barrier3A = arith.constant 0 : index
    tpu.barrier barrier_id(%barrier3A)
    %scan3A_30 = arith.constant 0 : i32
    %scan3A_31 = arith.constant 0 : i32
    %scan3A_32 = arith.constant 42 : i32
    %scan3A_33 = arith.addi %scan3A_31, %scan3A_32 : i32
    %scan3A_34 = arith.constant 1 : i32
    %scan3A_35 = scf.for %scan3A_49 = %scan3A_31 to %scan3A_33 step %scan3A_34 iter_args(%scan3A_50 = %scan3A_30) -> (i32)  : i32 {
      %dma_start3A_51 = arith.constant 0 : i32
      %dma_start3A_52 = tpu.memref_slice %arg4[%scan3A_49, %dma_start3A_51] : memref<42x128xi32, #tpu.memory_space<vmem>> -> memref<1x128xi32, #tpu.memory_space<vmem>>
      %dma_start3A_53 = tpu.memref_squeeze %dma_start3A_52 : memref<1x128xi32, #tpu.memory_space<vmem>> -> memref<128xi32, #tpu.memory_space<vmem>>
      %dma_start3A_54 = arith.constant 0 : i32
      %dma_start3A_55 = tpu.memref_slice %arg7[%dma_start3A_54] : memref<10240xf32, #tpu.memory_space<vmem_shared>> -> memref<10240xf32, #tpu.memory_space<vmem_shared>>
      tpu.enqueue_indirect_dma source(%arg5 : memref<128xf32, #tpu.memory_space<vmem>>) target(%dma_start3A_55 : memref<10240xf32, #tpu.memory_space<vmem_shared>>) offsets(%dma_start3A_53 : memref<128xi32, #tpu.memory_space<vmem>>) semaphore(%arg9 : memref<!tpu.dma_semaphore, #tpu.memory_space<semaphore_mem>>) {add = true}
      %scan3A_56 = arith.constant 0 : i32
      scf.yield %scan3A_56 : i32
    }
    %scan3A_36 = arith.constant 42 : i32
    %scan3A_37 = arith.constant 0 : i32
    %scan3A_38 = arith.constant 0 : i32
    %scan3A_39 = arith.constant 42 : i32
    %scan3A_40 = arith.addi %scan3A_38, %scan3A_39 : i32
    %scan3A_41 = arith.constant 1 : i32
    %scan3A_42 = scf.for %scan3A_49 = %scan3A_38 to %scan3A_40 step %scan3A_41 iter_args(%scan3A_50 = %scan3A_37) -> (i32)  : i32 {
      %dma_wait3A_51 = arith.constant 0 : i32
      %dma_wait3A_52 = arith.constant 0 : i32
      %dma_wait3A_53 = tpu.memref_slice %arg4[%dma_wait3A_51, %dma_wait3A_52] : memref<42x128xi32, #tpu.memory_space<vmem>> -> memref<1x128xi32, #tpu.memory_space<vmem>>
      %dma_wait3A_54 = tpu.memref_squeeze %dma_wait3A_53 : memref<1x128xi32, #tpu.memory_space<vmem>> -> memref<128xi32, #tpu.memory_space<vmem>>
      %dma_wait3A_55 = arith.constant 0 : i32
      %dma_wait3A_56 = tpu.memref_slice %arg7[%dma_wait3A_55] : memref<10240xf32, #tpu.memory_space<vmem_shared>> -> memref<10240xf32, #tpu.memory_space<vmem_shared>>
      tpu.wait_indirect_dma semaphore(%arg9 : memref<!tpu.dma_semaphore, #tpu.memory_space<semaphore_mem>>) src(%arg5 : memref<128xf32, #tpu.memory_space<vmem>>) dst(%dma_wait3A_56 : memref<10240xf32, #tpu.memory_space<vmem_shared>>)
      %scan3A_57 = arith.constant 0 : i32
      scf.yield %scan3A_57 : i32
    }
    %scan3A_43 = arith.constant 42 : i32
    %barrier3A_44 = arith.constant 0 : index
    tpu.barrier barrier_id(%barrier3A_44)
    %mul3A_45 = arith.constant 640 : i32
    %mul3A_46 = arith.muli %arg1, %mul3A_45 : i32
    %mul3A_47 = arith.constant 640 : i32
    %mul3A_48 = arith.muli %arg1, %mul3A_47 : i32
    "tpu.region"() ({
      %run_scoped3A = tpu.sem_alloc : memref<!tpu.dma_semaphore, #tpu.memory_space<semaphore_mem>>
      %dma_start3A_49 = tpu.memref_slice %arg3[%arg0, %mul3A_48] : memref<2x10240xf32, #tpu.memory_space<hbm>> -> memref<1x640xf32, #tpu.memory_space<hbm>>
      %dma_start3A_50 = tpu.memref_squeeze %dma_start3A_49 : memref<1x640xf32, #tpu.memory_space<hbm>> -> memref<640xf32, #tpu.memory_space<hbm>>
      %dma_start3A_51 = tpu.memref_slice %arg7[%mul3A_46] : memref<10240xf32, #tpu.memory_space<vmem_shared>> -> memref<640xf32, #tpu.memory_space<vmem_shared>>
      tpu.enqueue_dma source(%dma_start3A_51 : memref<640xf32, #tpu.memory_space<vmem_shared>>) target(%dma_start3A_50 : memref<640xf32, #tpu.memory_space<hbm>>) target_semaphore(%run_scoped3A : memref<!tpu.dma_semaphore, #tpu.memory_space<semaphore_mem>>)
      %dma_wait3A_52 = tpu.memref_slice %arg3[%arg0, %mul3A_48] : memref<2x10240xf32, #tpu.memory_space<hbm>> -> memref<1x640xf32, #tpu.memory_space<hbm>>
      %dma_wait3A_53 = tpu.memref_squeeze %dma_wait3A_52 : memref<1x640xf32, #tpu.memory_space<hbm>> -> memref<640xf32, #tpu.memory_space<hbm>>
      %dma_wait3A_54 = tpu.memref_slice %arg7[%mul3A_46] : memref<10240xf32, #tpu.memory_space<vmem_shared>> -> memref<640xf32, #tpu.memory_space<vmem_shared>>
      tpu.wait_dma2 semaphore(%run_scoped3A : memref<!tpu.dma_semaphore, #tpu.memory_space<semaphore_mem>>) src(%dma_wait3A_54 : memref<640xf32, #tpu.memory_space<vmem_shared>>) dst(%dma_wait3A_53 : memref<640xf32, #tpu.memory_space<hbm>>)
      tpu.yield
    }) : () -> ()
    return
  }
}

module attributes {stable_mosaic.version = 14 : i64} {
  func.func @_mm_scale_body(%arg0: i32, %arg1: memref<1024x256xf32, #tpu.memory_space<vmem>>, %arg2: memref<256x128xf32, #tpu.memory_space<vmem>>, %arg3: memref<2x1024xf32, #tpu.memory_space<vmem>>, %arg4: memref<1024x1xf32, #tpu.memory_space<vmem>>, %arg5: memref<1024x128xf32, #tpu.memory_space<vmem>>) attributes {dimension_semantics = [#tpu.dimension_semantics<arbitrary>], iteration_bounds = array<i64: 10>, scalar_prefetch = 0 : i64, scratch_operands = 0 : i64, tpu.core_type = #tpu.core_type<tc>, window_params = [{transform_indices = @transform_0, window_bounds = array<i64: 1024, 256>}, {pipeline_mode = #tpu.pipeline_mode<synchronous>, transform_indices = @transform_1, window_bounds = array<i64: 256, 128>}, {transform_indices = @transform_2, window_bounds = array<i64: 2, 1024>}, {transform_indices = @transform_3, window_bounds = array<i64: 1024, 1>}, {transform_indices = @transform_4, window_bounds = array<i64: 1024, 128>}]} {
    %get3A = arith.constant 0 : index
    %get3A_0 = arith.constant 0 : index
    %get3A_1 = vector.load %arg3[%get3A, %get3A_0] : memref<2x1024xf32, #tpu.memory_space<vmem>>, vector<2x1024xf32>
    %slice3A = vector.extract_strided_slice %get3A_1 {offsets = [0, 0], sizes = [1, 1024], strides = [1, 1]} : vector<2x1024xf32> to vector<1x1024xf32>
    %squeeze3A = vector.shape_cast %slice3A : vector<1x1024xf32> to vector<1024xf32>
    %slice3A_2 = vector.extract_strided_slice %get3A_1 {offsets = [1, 0], sizes = [1, 1024], strides = [1, 1]} : vector<2x1024xf32> to vector<1x1024xf32>
    %squeeze3A_3 = vector.shape_cast %slice3A_2 : vector<1x1024xf32> to vector<1024xf32>
    %add3A = arith.addf %squeeze3A, %squeeze3A_3 : vector<1024xf32>
    %broadcast_in_dim3A = vector.shape_cast %add3A : vector<1024xf32> to vector<1024x1xf32>
    %rsqrt3A = math.rsqrt %broadcast_in_dim3A : vector<1024x1xf32>
    %mul3A = arith.constant 5.000000e-01 : f32
    %mul3A_4 = vector.broadcast %mul3A : f32 to vector<1024x1xf32>
    %mul3A_5 = arith.mulf %mul3A_4, %broadcast_in_dim3A : vector<1024x1xf32>
    %mul3A_6 = arith.mulf %mul3A_5, %rsqrt3A : vector<1024x1xf32>
    %mul3A_7 = arith.mulf %mul3A_6, %rsqrt3A : vector<1024x1xf32>
    %sub3A = arith.constant 1.500000e+00 : f32
    %sub3A_8 = vector.broadcast %sub3A : f32 to vector<1024x1xf32>
    %sub3A_9 = arith.subf %sub3A_8, %mul3A_7 : vector<1024x1xf32>
    %mul3A_10 = arith.mulf %rsqrt3A, %sub3A_9 : vector<1024x1xf32>
    %swap3A = arith.constant 0 : index
    %swap3A_11 = arith.constant 0 : index
    %swap3A_12 = vector.load %arg4[%swap3A, %swap3A_11] : memref<1024x1xf32, #tpu.memory_space<vmem>>, vector<1024x1xf32>
    tpu.vector_store %arg4[%swap3A, %swap3A_11], %mul3A_10 {strides = array<i32>} : memref<1024x1xf32, #tpu.memory_space<vmem>>, vector<1024x1xf32>,
    %get3A_13 = arith.constant 0 : index
    %get3A_14 = arith.constant 0 : index
    %get3A_15 = vector.load %arg1[%get3A_13, %get3A_14] : memref<1024x256xf32, #tpu.memory_space<vmem>>, vector<1024x256xf32>
    %get3A_16 = arith.constant 0 : index
    %get3A_17 = arith.constant 0 : index
    %get3A_18 = vector.load %arg2[%get3A_16, %get3A_17] : memref<256x128xf32, #tpu.memory_space<vmem>>, vector<256x128xf32>
    %dot_general3A = arith.constant dense<0.000000e+00> : vector<1024x128xf32>
    %dot_general3A_19 = tpu.matmul %get3A_15, %get3A_18, %dot_general3A {dimension_numbers = #tpu.dot_dimension_numbers<[1], [0], [0], [1], [0, 0, 1, 1], [], []>, precision = #tpu.contract_precision<fp32>, transpose_lhs_hint = false} : vector<1024x256xf32>, vector<256x128xf32>, vector<1024x128xf32> -> vector<1024x128xf32>
    %mul3A_20 = vector.broadcast %mul3A_10 : vector<1024x1xf32> to vector<1024x128xf32>
    %mul3A_21 = arith.mulf %dot_general3A_19, %mul3A_20 : vector<1024x128xf32>
    %swap3A_22 = arith.constant 0 : index
    %swap3A_23 = arith.constant 0 : index
    %swap3A_24 = vector.load %arg5[%swap3A_22, %swap3A_23] : memref<1024x128xf32, #tpu.memory_space<vmem>>, vector<1024x128xf32>
    tpu.vector_store %arg5[%swap3A_22, %swap3A_23], %mul3A_21 {strides = array<i32>} : memref<1024x128xf32, #tpu.memory_space<vmem>>, vector<1024x128xf32>,
    return
  }
  func.func @transform_0(%arg0: i32) -> (i32, i32) {
    %c0_i32 = arith.constant 0 : i32
    %c0_i32_0 = arith.constant 0 : i32
    return %arg0, %c0_i32 : i32, i32
  }
  func.func @transform_1(%arg0: i32) -> (i32, i32) {
    %c0_i32 = arith.constant 0 : i32
    %c0_i32_0 = arith.constant 0 : i32
    %c0_i32_1 = arith.constant 0 : i32
    return %c0_i32, %c0_i32_0 : i32, i32
  }
  func.func @transform_2(%arg0: i32) -> (i32, i32) {
    %c0_i32 = arith.constant 0 : i32
    %c0_i32_0 = arith.constant 0 : i32
    return %c0_i32, %arg0 : i32, i32
  }
  func.func @transform_3(%arg0: i32) -> (i32, i32) {
    %c0_i32 = arith.constant 0 : i32
    %c0_i32_0 = arith.constant 0 : i32
    return %arg0, %c0_i32 : i32, i32
  }
  func.func @transform_4(%arg0: i32) -> (i32, i32) {
    %c0_i32 = arith.constant 0 : i32
    %c0_i32_0 = arith.constant 0 : i32
    return %arg0, %c0_i32 : i32, i32
  }
}

module attributes {stable_mosaic.version = 14 : i64} {
  func.func @body(%arg0: i32, %arg1: memref<2x1024x128xf32, #tpu.memory_space<vmem>>, %arg2: memref<1024x1xf32, #tpu.memory_space<vmem>>, %arg3: memref<2x1024xf32, #tpu.memory_space<vmem>>, %arg4: memref<1x128xf32, #tpu.memory_space<vmem>>, %arg5: memref<128x128xf32, #tpu.memory_space<vmem>>, %arg6: memref<1x128xf32, #tpu.memory_space<vmem>>, %arg7: memref<128x128xf32, #tpu.memory_space<vmem>>, %arg8: memref<1x128xf32, #tpu.memory_space<vmem>>, %arg9: memref<1x128xf32, #tpu.memory_space<vmem>>, %arg10: memref<1x128xf32, #tpu.memory_space<vmem>>) attributes {dimension_semantics = [#tpu.dimension_semantics<arbitrary>], iteration_bounds = array<i64: 10>, scalar_prefetch = 0 : i64, scratch_operands = 1 : i64, tpu.core_type = #tpu.core_type<tc>, window_params = [{transform_indices = @transform_0, window_bounds = array<i64: 2, 1024, 128>}, {transform_indices = @transform_1, window_bounds = array<i64: 1024, 1>}, {transform_indices = @transform_2, window_bounds = array<i64: 2, 1024>}, {pipeline_mode = #tpu.pipeline_mode<synchronous>, transform_indices = @transform_3, window_bounds = array<i64: 1, 128>}, {pipeline_mode = #tpu.pipeline_mode<synchronous>, transform_indices = @transform_4, window_bounds = array<i64: 128, 128>}, {pipeline_mode = #tpu.pipeline_mode<synchronous>, transform_indices = @transform_5, window_bounds = array<i64: 1, 128>}, {pipeline_mode = #tpu.pipeline_mode<synchronous>, transform_indices = @transform_6, window_bounds = array<i64: 128, 128>}, {pipeline_mode = #tpu.pipeline_mode<synchronous>, transform_indices = @transform_7, window_bounds = array<i64: 1, 128>}, {pipeline_mode = #tpu.pipeline_mode<synchronous>, transform_indices = @transform_8, window_bounds = array<i64: 1, 128>}]} {
    %get3A = arith.constant 0 : index
    %get3A_0 = arith.constant 0 : index
    %get3A_1 = arith.constant 0 : index
    %get3A_2 = vector.load %arg1[%get3A, %get3A_0, %get3A_1] : memref<2x1024x128xf32, #tpu.memory_space<vmem>>, vector<2x1024x128xf32>
    %slice3A = vector.extract_strided_slice %get3A_2 {offsets = [0, 0, 0], sizes = [1, 1024, 128], strides = [1, 1, 1]} : vector<2x1024x128xf32> to vector<1x1024x128xf32>
    %squeeze3A = vector.shape_cast %slice3A : vector<1x1024x128xf32> to vector<1024x128xf32>
    %slice3A_3 = vector.extract_strided_slice %get3A_2 {offsets = [1, 0, 0], sizes = [1, 1024, 128], strides = [1, 1, 1]} : vector<2x1024x128xf32> to vector<1x1024x128xf32>
    %squeeze3A_4 = vector.shape_cast %slice3A_3 : vector<1x1024x128xf32> to vector<1024x128xf32>
    %add3A = arith.addf %squeeze3A, %squeeze3A_4 : vector<1024x128xf32>
    %get3A_5 = arith.constant 0 : index
    %get3A_6 = arith.constant 0 : index
    %get3A_7 = vector.load %arg2[%get3A_5, %get3A_6] : memref<1024x1xf32, #tpu.memory_space<vmem>>, vector<1024x1xf32>
    %get3A_8 = arith.constant 0 : index
    %get3A_9 = arith.constant 0 : index
    %get3A_10 = vector.load %arg3[%get3A_8, %get3A_9] : memref<2x1024xf32, #tpu.memory_space<vmem>>, vector<2x1024xf32>
    %slice3A_11 = vector.extract_strided_slice %get3A_10 {offsets = [0, 0], sizes = [1, 1024], strides = [1, 1]} : vector<2x1024xf32> to vector<1x1024xf32>
    %squeeze3A_12 = vector.shape_cast %slice3A_11 : vector<1x1024xf32> to vector<1024xf32>
    %slice3A_13 = vector.extract_strided_slice %get3A_10 {offsets = [1, 0], sizes = [1, 1024], strides = [1, 1]} : vector<2x1024xf32> to vector<1x1024xf32>
    %squeeze3A_14 = vector.shape_cast %slice3A_13 : vector<1x1024xf32> to vector<1024xf32>
    %add3A_15 = arith.addf %squeeze3A_12, %squeeze3A_14 : vector<1024xf32>
    %broadcast_in_dim3A = vector.shape_cast %add3A_15 : vector<1024xf32> to vector<1024x1xf32>
    %mul3A = vector.broadcast %get3A_7 : vector<1024x1xf32> to vector<1024x128xf32>
    %mul3A_16 = arith.mulf %mul3A, %add3A : vector<1024x128xf32>
    %get3A_17 = arith.constant 0 : index
    %get3A_18 = arith.constant 0 : index
    %get3A_19 = vector.load %arg4[%get3A_17, %get3A_18] : memref<1x128xf32, #tpu.memory_space<vmem>>, vector<1x128xf32>
    %add3A_20 = vector.broadcast %get3A_19 : vector<1x128xf32> to vector<1024x128xf32>
    %add3A_21 = arith.addf %mul3A_16, %add3A_20 : vector<1024x128xf32>
    %max3A = arith.constant 0.000000e+00 : f32
    %max3A_22 = vector.broadcast %max3A : f32 to vector<1024x128xf32>
    %max3A_23 = arith.maximumf %add3A_21, %max3A_22 : vector<1024x128xf32>
    %mul3A_24 = arith.mulf %get3A_7, %broadcast_in_dim3A : vector<1024x1xf32>
    %mul3A_25 = arith.constant 1024 : i32
    %mul3A_26 = arith.muli %arg0, %mul3A_25 : i32
    %iota3A = tpu.iota {dimensions = array<i32: 0>} : vector<1024x1xi32>
    %add3A_27 = vector.broadcast %mul3A_26 : i32 to vector<1024x1xi32>
    %add3A_28 = arith.addi %add3A_27, %iota3A : vector<1024x1xi32>
    %lt3A = arith.constant 10000 : i32
    %lt3A_29 = vector.broadcast %lt3A : i32 to vector<1024x1xi32>
    %lt3A_30 = arith.cmpi slt, %add3A_28, %lt3A_29 : vector<1024x1xi32>
    %mul3A_31 = vector.broadcast %mul3A_24 : vector<1024x1xf32> to vector<1024x128xf32>
    %mul3A_32 = arith.mulf %mul3A_31, %max3A_23 : vector<1024x128xf32>
    %jit3A = arith.constant 0.000000e+00 : f32
    %broadcast_in_dim3A_33 = vector.shape_cast %lt3A_30 : vector<1024x1xi1> to vector<1024x1xi1>
    %broadcast_in_dim3A_34 = vector.broadcast %broadcast_in_dim3A_33 : vector<1024x1xi1> to vector<1024x128xi1>
    %broadcast_in_dim3A_35 = vector.broadcast %jit3A : f32 to vector<1024x128xf32>
    %select_n3A = arith.select %broadcast_in_dim3A_34, %mul3A_32, %broadcast_in_dim3A_35 : vector<1024x128xi1>, vector<1024x128xf32>
    %reduce_sum3A = arith.constant dense<0.000000e+00> : vector<128xf32>
    %reduce_sum3A_36 = vector.multi_reduction <add>, %select_n3A, %reduce_sum3A [0] : vector<1024x128xf32> to vector<128xf32>
    %broadcast_in_dim3A_37 = vector.shape_cast %reduce_sum3A_36 : vector<128xf32> to vector<1x128xf32>
    %eq3A = arith.constant 0 : i32
    %eq3A_38 = arith.cmpi eq, %arg0, %eq3A : i32
    %convert_element_type3A = arith.extui %eq3A_38 : i1 to i32
    %cond3A = arith.constant 0 : i32
    %cond3A_39 = arith.cmpi ne, %convert_element_type3A, %cond3A : i32
    scf.if %cond3A_39 {
      %broadcast_in_dim3A_51 = arith.constant 0.000000e+00 : f32
      %broadcast_in_dim3A_52 = vector.broadcast %broadcast_in_dim3A_51 : f32 to vector<1x128xf32>
      %swap3A_53 = arith.constant 0 : index
      %swap3A_54 = arith.constant 0 : index
      %swap3A_55 = vector.load %arg10[%swap3A_53, %swap3A_54] : memref<1x128xf32, #tpu.memory_space<vmem>>, vector<1x128xf32>
      tpu.vector_store %arg10[%swap3A_53, %swap3A_54], %broadcast_in_dim3A_52 {strides = array<i32>} : memref<1x128xf32, #tpu.memory_space<vmem>>, vector<1x128xf32>,
    } else {
    }
    %get3A_40 = arith.constant 0 : index
    %get3A_41 = arith.constant 0 : index
    %get3A_42 = vector.load %arg10[%get3A_40, %get3A_41] : memref<1x128xf32, #tpu.memory_space<vmem>>, vector<1x128xf32>
    %add3A_43 = arith.addf %get3A_42, %broadcast_in_dim3A_37 : vector<1x128xf32>
    %swap3A = arith.constant 0 : index
    %swap3A_44 = arith.constant 0 : index
    %swap3A_45 = vector.load %arg10[%swap3A, %swap3A_44] : memref<1x128xf32, #tpu.memory_space<vmem>>, vector<1x128xf32>
    tpu.vector_store %arg10[%swap3A, %swap3A_44], %add3A_43 {strides = array<i32>} : memref<1x128xf32, #tpu.memory_space<vmem>>, vector<1x128xf32>,
    %eq3A_46 = arith.constant 9 : i32
    %eq3A_47 = arith.cmpi eq, %arg0, %eq3A_46 : i32
    %convert_element_type3A_48 = arith.extui %eq3A_47 : i1 to i32
    %cond3A_49 = arith.constant 0 : i32
    %cond3A_50 = arith.cmpi ne, %convert_element_type3A_48, %cond3A_49 : i32
    scf.if %cond3A_50 {
      %get3A_51 = arith.constant 0 : index
      %get3A_52 = arith.constant 0 : index
      %get3A_53 = vector.load %arg10[%get3A_51, %get3A_52] : memref<1x128xf32, #tpu.memory_space<vmem>>, vector<1x128xf32>
      %mul3A_54 = arith.constant 9.99999974E-5 : f32
      %mul3A_55 = vector.broadcast %mul3A_54 : f32 to vector<1x128xf32>
      %mul3A_56 = arith.mulf %get3A_53, %mul3A_55 : vector<1x128xf32>
      %get3A_57 = arith.constant 0 : index
      %get3A_58 = arith.constant 0 : index
      %get3A_59 = vector.load %arg5[%get3A_57, %get3A_58] : memref<128x128xf32, #tpu.memory_space<vmem>>, vector<128x128xf32>
      %dot_general3A = arith.constant dense<0.000000e+00> : vector<1x128xf32>
      %dot_general3A_60 = tpu.matmul %mul3A_56, %get3A_59, %dot_general3A {dimension_numbers = #tpu.dot_dimension_numbers<[1], [0], [0], [1], [0, 0, 1, 1], [], []>, precision = #tpu.contract_precision<fp32>, transpose_lhs_hint = false} : vector<1x128xf32>, vector<128x128xf32>, vector<1x128xf32> -> vector<1x128xf32>
      %get3A_61 = arith.constant 0 : index
      %get3A_62 = arith.constant 0 : index
      %get3A_63 = vector.load %arg6[%get3A_61, %get3A_62] : memref<1x128xf32, #tpu.memory_space<vmem>>, vector<1x128xf32>
      %add3A_64 = arith.addf %dot_general3A_60, %get3A_63 : vector<1x128xf32>
      %get3A_65 = arith.constant 0 : index
      %get3A_66 = arith.constant 0 : index
      %get3A_67 = vector.load %arg7[%get3A_65, %get3A_66] : memref<128x128xf32, #tpu.memory_space<vmem>>, vector<128x128xf32>
      %dot_general3A_68 = arith.constant dense<0.000000e+00> : vector<1x128xf32>
      %dot_general3A_69 = tpu.matmul %add3A_64, %get3A_67, %dot_general3A_68 {dimension_numbers = #tpu.dot_dimension_numbers<[1], [0], [0], [1], [0, 0, 1, 1], [], []>, precision = #tpu.contract_precision<fp32>, transpose_lhs_hint = false} : vector<1x128xf32>, vector<128x128xf32>, vector<1x128xf32> -> vector<1x128xf32>
      %get3A_70 = arith.constant 0 : index
      %get3A_71 = arith.constant 0 : index
      %get3A_72 = vector.load %arg8[%get3A_70, %get3A_71] : memref<1x128xf32, #tpu.memory_space<vmem>>, vector<1x128xf32>
      %add3A_73 = arith.addf %dot_general3A_69, %get3A_72 : vector<1x128xf32>
      %swap3A_74 = arith.constant 0 : index
      %swap3A_75 = arith.constant 0 : index
      %swap3A_76 = vector.load %arg9[%swap3A_74, %swap3A_75] : memref<1x128xf32, #tpu.memory_space<vmem>>, vector<1x128xf32>
      tpu.vector_store %arg9[%swap3A_74, %swap3A_75], %add3A_73 {strides = array<i32>} : memref<1x128xf32, #tpu.memory_space<vmem>>, vector<1x128xf32>,
    } else {
    }
    return
  }
  func.func @transform_0(%arg0: i32) -> (i32, i32, i32) {
    %c0_i32 = arith.constant 0 : i32
    %c0_i32_0 = arith.constant 0 : i32
    %c0_i32_1 = arith.constant 0 : i32
    return %c0_i32, %arg0, %c0_i32_0 : i32, i32, i32
  }
  func.func @transform_1(%arg0: i32) -> (i32, i32) {
    %c0_i32 = arith.constant 0 : i32
    %c0_i32_0 = arith.constant 0 : i32
    return %arg0, %c0_i32 : i32, i32
  }
  func.func @transform_2(%arg0: i32) -> (i32, i32) {
    %c0_i32 = arith.constant 0 : i32
    %c0_i32_0 = arith.constant 0 : i32
    return %c0_i32, %arg0 : i32, i32
  }
  func.func @transform_3(%arg0: i32) -> (i32, i32) {
    %c0_i32 = arith.constant 0 : i32
    %c0_i32_0 = arith.constant 0 : i32
    %c0_i32_1 = arith.constant 0 : i32
    return %c0_i32, %c0_i32_0 : i32, i32
  }
  func.func @transform_4(%arg0: i32) -> (i32, i32) {
    %c0_i32 = arith.constant 0 : i32
    %c0_i32_0 = arith.constant 0 : i32
    %c0_i32_1 = arith.constant 0 : i32
    return %c0_i32, %c0_i32_0 : i32, i32
  }
  func.func @transform_5(%arg0: i32) -> (i32, i32) {
    %c0_i32 = arith.constant 0 : i32
    %c0_i32_0 = arith.constant 0 : i32
    %c0_i32_1 = arith.constant 0 : i32
    return %c0_i32, %c0_i32_0 : i32, i32
  }
  func.func @transform_6(%arg0: i32) -> (i32, i32) {
    %c0_i32 = arith.constant 0 : i32
    %c0_i32_0 = arith.constant 0 : i32
    %c0_i32_1 = arith.constant 0 : i32
    return %c0_i32, %c0_i32_0 : i32, i32
  }
  func.func @transform_7(%arg0: i32) -> (i32, i32) {
    %c0_i32 = arith.constant 0 : i32
    %c0_i32_0 = arith.constant 0 : i32
    %c0_i32_1 = arith.constant 0 : i32
    return %c0_i32, %c0_i32_0 : i32, i32
  }
  func.func @transform_8(%arg0: i32) -> (i32, i32) {
    %c0_i32 = arith.constant 0 : i32
    %c0_i32_0 = arith.constant 0 : i32
    %c0_i32_1 = arith.constant 0 : i32
    return %c0_i32, %c0_i32_0 : i32, i32
  }
}

</mosaic_0001>

<sc_bundles>
// kernel: kernel.6.cloned.1.call-start
scs
__scs_entry_jumppad:
0x0: {  	(pc) =	sbr.rel $0x88, $3  }
0x1: {  	(tag) =	ssettag $0x0;
	lr =	simm.s32 $0x1  }
0x2: {  	[smem:$0x3F99] =	sst lr;
	_ =	strace $0xD0000000  }
0x3: {  	_ = 	snop  }
0x4: {  	_ = 	snop  }
0x5: {  	_ = 	snop  }
0x6: {  	_ = 	snop  }
0x7: {  	_ = 	snop  }
__scs_overlays_trampoline_lowered:
0x8: {  	[smem:$0x3FA8] =	sst s0  }
0x9: {  	[smem:$0x3FA9] =	sst s1  }
0xa: {  	[smem:$0x3FAA] =	sst s2  }
0xb: {  	[smem:$0x3FAB] =	sst s3  }
0xc: {  	[smem:$0x3FAC] =	sst s4  }
0xd: {  	[smem:$0x3FAD] =	sst s5  }
0xe: {  	[smem:$0x3FAE] =	sst s6  }
0xf: {  	[smem:$0x3FAF] =	sst s7  }
0x10: {  	[smem:$0x3FB0] =	sst s8  }
0x11: {  	[smem:$0x3FB1] =	sst s9;
	s0 =	simm.s32 @!p0 $0x0  }
0x12: {  	s1 =	sld [smem:$0x3F97];
	s0 =	simm.s32 @p0 $0x1  }
0x13: {  	[smem:$0x3FB2] =	sst s0;
	s0 =	simm.s32 @!p1 $0x0  }
0x14: {  	s2 =	sld [smem:$0x3F96];
	s0 =	simm.s32 @p1 $0x1  }
0x15: {  	[smem:$0x3FB3] =	sst s0;
	s0 =	simm.s32 @!p2 $0x0  }
0x16: {  	s3 =	sld [smem:$0x3FDB];
	s0 =	simm.s32 @p2 $0x1  }
0x17: {  	s4 =	simm.s32 $0x1BF5;
	[smem:$0x3FB5] =	sst s0  }
0x18: {  	s0 =	sld [smem:$0x3F98];
	_ =	swait.ge [sflag:s4], $0x0  }
0x19: {  	s7 =	sld [smem:$0x3F99]  }
0x1a: {  	s8 =	sadd.s32 $0xFFFFE003, lr  }
0x1b: {  	s9 =	sadd.s32 $0xFFFFFEF7, lr;
	s5 =	simm.s32 $0xFFFFFFFF;
	p2 =	slt.u32 s8, $0xFFFFF086  }
0x1c: {  	p1 =	slt.u32 s9, $0xF7A;
	s5 =	simm.s32 @!p2 $0x0  }
0x1d: {  	s5 =	simm.s32 @p1 $0x1;
	p0 =	seq.s32 s7, s2  }
0x1e: {  	s7 =	smul.u32 @!p0 $0xF7A, s2;
	p2 =	seq.s32 @!p0 s5, $0x0  }
0x1f: {  	s9 =	smul.u32 $0xF7A, s1;
	s8 =	simm.s32 @!p0 $0x1BF5;
	p2 =	por !p2, p0  }
0x20: {  	[sflag:s8] =	ssyncset.s32 @!p0 $0xFFFFF086;
	s6 =	sadd.s32 @!p0 s3, s7;
	s7 =	simm.s32 @!p0 $0x108  }
0x21: {  	s3 =	sadd.s32 s3, s9;
	s6 =	sadd.s32 @!p0 $0x88, s6;
	s7 =	simm.s32 @p2 $0x1082  }
0x22: {  	[simem:s7], [sflag:s8] =	dma.local @!p0 [hbm:s6], $0xF7A  }
0x23: {  	s9 =	sor.u32 $0xD0000000, s2;
	s6 =	simm.s32 $0x108;
	_ =	swait.ge @!p0 [sflag:s8], $0x0  }
0x24: {  	s3 =	sadd.s32 $0x88, s3;
	s6 =	simm.s32 @!p1 $0x1082;
	[sflag:s4] =	ssyncset.s32 $0xFFFFF086  }
0x25: {  	[simem:s6], [sflag:s4] =	dma.local [hbm:s3], $0xF7A  }
0x26: {  	[smem:$0x3F99] =	sst s1;
	(tag) =	ssettag s2;
	_ =	strace s9  }
0x27: {  	s1 =	sld [smem:$0x3FA9]  }
0x28: {  	s2 =	sld [smem:$0x3FAA]  }
0x29: {  	s4 =	sld [smem:$0x3FAC]  }
0x2a: {  	p0 =	seq.s32 s5, $0x0;
	s5 =	sld [smem:$0x3FAD]  }
0x2b: {  	s6 =	sld [smem:$0x3FAE]  }
0x2c: {  	s7 =	sld [smem:$0x3FAF]  }
0x2d: {  	s3 =	simm.s32 $0x108;
	s8 =	sld [smem:$0x3FB0]  }
0x2e: {  	s3 =	simm.s32 @!p0 $0x1082;
	s9 =	sld [smem:$0x3FB1]  }
0x2f: {  	lr =	sadd.s32 s0, s3;
	s0 =	sld [smem:$0x3FA8]  }
0x30: {  	s3 =	sld [smem:$0x3FAB]  }
0x31: {  	[smem:$0x3FB4] =	sst s10  }
0x32: {  	s10 =	sld [smem:$0x3FB2];
	_ =	sdelay $0x3  }
0x33: {  	p0 =	seq.s32 s10, $0x1;
	s10 =	sld [smem:$0x3FB4];
	_ =	sdelay $0x3  }
0x34: {  	[smem:$0x3FB4] =	sst s10  }
0x35: {  	s10 =	sld [smem:$0x3FB3];
	_ =	sdelay $0x3  }
0x36: {  	p1 =	seq.s32 s10, $0x1;
	s10 =	sld [smem:$0x3FB4];
	_ =	sdelay $0x3  }
0x37: {  	[smem:$0x3FB4] =	sst s10  }
0x38: {  	s10 =	sld [smem:$0x3FB5]  }
0x39: {  	_ = 	snop;
	(pc) =	sbr.ind lr, $3  }
0x3a: {  	_ = 	snop  }
0x3b: {  	_ = 	snop  }
0x3c: {  	p2 =	seq.s32 s10, $0x1;
	s10 =	sld [smem:$0x3FB4]  }
0x3d: {  	_ =	shalt  }
0x3e: {  	_ =	shalt  }
0x3f: {  	_ =	shalt  }
0x40: {  	_ =	shalt  }
0x41: {  	_ =	shalt  }
0x42: {  	_ =	shalt  }
0x43: {  	_ =	shalt  }
0x44: {  	_ =	shalt  }
0x45: {  	_ =	shalt  }
0x46: {  	_ =	shalt  }
0x47: {  	_ =	shalt  }
0x48: {  	_ =	shalt  }
0x49: {  	_ =	shalt  }
0x4a: {  	_ =	shalt  }
0x4b: {  	_ =	shalt  }
0x4c: {  	_ =	shalt  }
0x4d: {  	_ =	shalt  }
0x4e: {  	_ =	shalt  }
0x4f: {  	_ =	shalt  }
0x50: {  	_ =	shalt  }
0x51: {  	_ =	shalt  }
0x52: {  	_ =	shalt  }
0x53: {  	_ =	shalt  }
0x54: {  	_ =	shalt  }
0x55: {  	_ =	shalt  }
0x56: {  	_ =	shalt  }
0x57: {  	_ =	shalt  }
0x58: {  	_ =	shalt  }
0x59: {  	_ =	shalt  }
0x5a: {  	_ =	shalt  }
0x5b: {  	_ =	shalt  }
0x5c: {  	_ =	shalt  }
0x5d: {  	_ =	shalt  }
0x5e: {  	_ =	shalt  }
0x5f: {  	_ =	shalt  }
0x60: {  	_ =	shalt  }
0x61: {  	_ =	shalt  }
0x62: {  	_ =	shalt  }
0x63: {  	_ =	shalt  }
0x64: {  	_ =	shalt  }
0x65: {  	_ =	shalt  }
0x66: {  	_ =	shalt  }
0x67: {  	_ =	shalt  }
0x68: {  	_ =	shalt  }
0x69: {  	_ =	shalt  }
0x6a: {  	_ =	shalt  }
0x6b: {  	_ =	shalt  }
0x6c: {  	_ =	shalt  }
0x6d: {  	_ =	shalt  }
0x6e: {  	_ =	shalt  }
0x6f: {  	_ =	shalt  }
0x70: {  	_ =	shalt  }
0x71: {  	_ =	shalt  }
0x72: {  	_ =	shalt  }
0x73: {  	_ =	shalt  }
0x74: {  	_ =	shalt  }
0x75: {  	_ =	shalt  }
0x76: {  	_ =	shalt  }
0x77: {  	_ =	shalt  }
0x78: {  	_ =	shalt  }
0x79: {  	_ =	shalt  }
0x7a: {  	_ =	shalt  }
0x7b: {  	_ =	shalt  }
0x7c: {  	_ =	shalt  }
0x7d: {  	_ =	shalt  }
0x7e: {  	_ =	shalt  }
0x7f: {  	_ =	shalt  }
0x80: {  	_ =	shalt  }
0x81: {  	_ =	shalt  }
0x82: {  	_ =	shalt  }
0x83: {  	_ =	shalt  }
0x84: {  	_ =	shalt  }
0x85: {  	_ =	shalt  }
0x86: {  	_ =	shalt  }
0x87: {  	_ =	shalt  }
.Lfunc_end0:
.L_simem_size_0:
called_computation_lowered:
.L_overlay_start_0:
0x88: {  	s2 =	sld [smem:$0x3FD9]  }
0x89: {  	s3 =	sld [smem:$0x3FFE];
	_ =	sdelay $0x1  }
0x8a: {  	s1 =	srdreg.scid  }
0x8b: {  	s0 =	sand.u32 $0x1, s1  }
0x8c: {  	s16 =	sshll.u32 s0, $0xA;
	s2 =	sadd.s32 s3, s2  }
0x8d: {  	s2 =	sadd.s32 s2, s16  }
0x8e: {  	[smem:$0x3FC0] =	sst s2  }
0x8f: {  	_ = 	snop  }
0x90: {  	(tm) =	ssettm $0x1  }
0x91: {  	s17 =	sld [smem:$0x3FFB];
	_ =	sdelay $0x3  }
0x92: {  	_ =	strace s17  }
0x93: {  	s2 =	sld [smem:$0x3FFC];
	_ =	sdelay $0x3  }
0x94: {  	_ =	strace s2  }
0x95: {  	s2 =	sld [smem:$0x3FFD];
	_ =	sdelay $0x3  }
0x96: {  	_ =	strace s2  }
0x97: {  	_ =	strace $0x8FFFFFFF  }
0x98: {  	s18 =	sld [smem:$0x3FDB];
	_ =	sdelay $0x1  }
0x99: {  	s19 =	simm.s32 $_scs_section_size  }
0x9a: {  	s4 =	simm.s32 $_size__tile_overlayer_lowered;
	s5 =	simm.s32 $_tile_overlayer_lowered  }
0x9b: {  	s22 =	simm.s32 $0x1BFF;
	s21 =	sshll.u32 s5, $0x1;
	s2 =	sadd.s32 s19, s18  }
0x9c: {  	s6 =	simm.s32 $0x0;
	s20 =	sshll.u32 s4, $0x1;
	s4 =	sadd.s32 s21, s2  }
0x9d: {  	[timem:s6], [sflag:s22] =	dma.local [hbm:s4], s20  }
0x9e: {  	_ =	swait.ge [sflag:s22], s20  }
0x9f: {  	s3 =	ssub.s32 $0x0, s20;
	[sflag:s22] =	ssyncset.done $0x0  }
0xa0: {  	[sflag:s22] =	ssyncadd.s32 s3;
	_ =	sdelay $0x1  }
0xa1: {  	s23 =	simm.s32 $0x1B8B  }
0xa2: {  	_ =	swait.ge [sflag:s23], $0x1  }
0xa3: {  	[sflag:s23] =	ssyncset.done $0x0  }
0xa4: {  	s25 =	simm.s32 $0x1B8E;
	s24 =	sld [smem:$0x3FFE];
	[sflag:s23] =	ssyncadd.s32 $0xFFFFFFFF  }
0xa5: {  	s26 =	simm.s32 $execute0_lowered;
	[smem:$0x3FD2] =	sst s25  }
0xa6: {  	s4 =	sshll.u32 s26, $0x1;
	_ =	strace $0x80000046;
	[dreg:$0x1] =	wrdreg $0xFFFFFFFF  }
0xa7: {  	s28 =	simm.s32 $_size_execute0_lowered;
	s2 =	sadd.s32 s2, s4;
	[dreg:$0x0] =	wrdreg $0x0  }
0xa8: {  	s4 =	sshll.u32 s28, $0x1;
	[dreg:$0x2] =	wrdreg s2  }
0xa9: {  	[dreg:$0x3] =	wrdreg s4  }
0xaa: {  	[dreg:$0x4] =	wrdreg $0xC0  }
0xab: {  	_ =	task [dreg:s6], $0x5FFFF  }
0xac: {  	[dreg:$0x1] =	wrdreg $0xFFFFFFFF  }
0xad: {  	[dreg:$0x0] =	wrdreg $0x60  }
0xae: {  	[dreg:$0x2] =	wrdreg s24  }
0xaf: {  	[dreg:$0x3] =	wrdreg $0x1B000  }
0xb0: {  	[dreg:$0x4] =	wrdreg $0x9  }
0xb1: {  	_ =	task.clear_ibuf [dreg:s6], $0x5FFFF;
	_ =	strace $0x90000046  }
0xb2: {  	s29 =	simm.s32 $0x9;
	_ =	strace $0x80000048  }
0xb3: {  	_ =	swait.ge [sflag:s29], $0x1  }
0xb4: {  	[sflag:s29] =	ssyncadd.s32 $0xFFFFFFFF  }
0xb5: {  	_ =	strace $0x90000048  }
0xb6: {  	_ =	sfence  }
0xb7: {  	s30 =	sld [smem:$0x0];
	_ =	sdelay $0x2  }
0xb8: {  	s31 =	sshll.u32 s1, $0xD;
	s1 =	sshrl.u32 s1, $0x2  }
0xb9: {  	s3 =	sand.u32 $0x4000, s31;
	s1 =	sadd.s32 s1, s30  }
0xba: {  	s0 =	sor.u32 s3, s0;
	s1 =	sshll.u32 s1, $0x11  }
0xbb: {  	s0 =	sor.u32 s1, s0  }
0xbc: {  	s0 =	sadd.s32 $0x8F2B, s0  }
0xbd: {  	[sflag:s0] =	ssyncadd.remote.s32 $0x1  }
0xbe: {  	_ =	sfence.sel $0xFFFF  }
0xbf: {  	[dreg:$0x0] =	wrdreg $0xFFFFFFFF;
	(pc) =	sbr.abs _section_cstart, $3  }
0xc0: {  	[dreg:$0x1] =	wrdreg $0xFFFFFFFF  }
0xc1: {  	_ =	task.clear_ibuf [dreg:s6], $0x2FFFF;
	_ =	strace $0x9FFFFFFF  }
0xc2: {  	(tm) =	ssettm $0x7FFFFFFF  }
0xc3: {  	_ =	shalt  }
tec
execute0_lowered:
.L_overlay_start_1:
0x0: {  	(tag) =	ssettag $0x1  }
0x1: {  	s0 =	rddreg [dreg:$0x0];
	s1 =	srdreg.scid  }
0x2: {  	s2 =	rddreg [dreg:$0x1];
	s7 =	stileid.u32  }
0x3: {  	s3 =	simm.s32 $0x0;
	s9 =	simm.s32 $0x3;
	s10 =	simm.s32 $0x1  }
0x4: {  	s11 =	simm.s32 $0x80;
	s12 =	simm.s32 $0x1800;
	s17 =	simm.s32 $0xD80  }
0x5: {  	s18 =	simm.s32 $0xE00;
	s19 =	simm.s32 $0xE80;
	s20 =	simm.s32 $0xF00  }
0x6: {  	s21 =	simm.s32 $0xF80;
	s22 =	simm.s32 $0x1000;
	s23 =	simm.s32 $0x1080  }
0x7: {  	s24 =	simm.s32 $0x1100;
	s28 =	simm.s32 $0x1280;
	s29 =	simm.s32 $0x1300  }
0x8: {  	s30 =	simm.s32 $0x1380;
	s31 =	simm.s32 $0x1400;
	s8 =	simm.s32 $0x20  }
0x9: {  	s13 =	simm.s32 $0x10;
	s14 =	simm.s32 $0x0;
	s5 =	smul.u32 $0x500, s7  }
0xa: {  	s1 =	sand.u32 $0x1, s1;
	[smem:$0x7FF] =	sst s3;
	s25 =	smul.u32 $0xA00, s7  }
0xb: {  	s4 =	sshll.u32 s1, $0x4;
	s6 =	sshll.u32 s1, $0x7;
	_ =	strace $0x80000047  }
0xc: {  	s1 =	ssub.s32 $0x2, s1;
	s4 =	sor.u32 s7, s4;
	s5 =	sor.u32 s6, s5  }
0xd: {  	s26 =	sshrl.u32 s1, $0x1;
	s6 =	sshrl.u32 s25, $0x2;
	s25 =	simm.s32 $0x1180  }
0xe: {  	s4 =	smul.u32 $0x300, s4;
	s5 =	sshrl.u32 s5, $0x3;
	s1 =	ssub.s32 s1, s26  }
0xf: {  	s26 =	simm.s32 $0x1200;
	s7 =	smax.u32 s1, $0x1;
	s1 =	simm.s32 $0x2  }
0x10: {  	s4 =	sadd.s32 s4, s0;
	s0 =	sadd.s32 s5, s0;
	s5 =	sadd.s32 s6, s2  }
0x11: {  	v0 =	vimm.f32 $1.000000000e+00;
	v1 =	vimm.f32 $0.0e+00;
	s4 =	sadd.s32 $0x1A00, s4;
	s6 =	sadd.s32 $0x7A00, s0;
	s0 =	simm.s32 $0x1480  }
.LBB2_1:
0x12: {  	[tilespmem:s3], [sflag:$0x1] =	stream.linear.gather [hbm4b:s4+s3], $0x1500, $0x38;
	[tilespmem:$0x1D80] =	vst v63  }
0x13: {  	[tilespmem:$0x1800] =	vst v0  }
0x14: {  	[tilespmem:$0x1810] =	vst v0  }
0x15: {  	[tilespmem:$0x1820] =	vst v0  }
0x16: {  	[tilespmem:$0x1830] =	vst v0  }
0x17: {  	[tilespmem:$0x1840] =	vst v0  }
0x18: {  	[tilespmem:$0x1850] =	vst v0  }
0x19: {  	[tilespmem:$0x1860] =	vst v0  }
0x1a: {  	[tilespmem:$0x1870] =	vst v0  }
0x1b: {  	[tilespmem:$0x1880] =	vst v1  }
0x1c: {  	[tilespmem:$0x1890] =	vst v1  }
0x1d: {  	[tilespmem:$0x18A0] =	vst v1  }
0x1e: {  	[tilespmem:$0x18B0] =	vst v1  }
0x1f: {  	[tilespmem:$0x18C0] =	vst v1  }
0x20: {  	[tilespmem:$0x18D0] =	vst v1  }
0x21: {  	[tilespmem:$0x18E0] =	vst v1  }
0x22: {  	[tilespmem:$0x18F0] =	vst v1  }
0x23: {  	[tilespmem:$0x1900] =	vst v1  }
0x24: {  	[tilespmem:$0x1910] =	vst v1  }
0x25: {  	[tilespmem:$0x1920] =	vst v1  }
0x26: {  	[tilespmem:$0x1930] =	vst v1  }
0x27: {  	[tilespmem:$0x1940] =	vst v1  }
0x28: {  	[tilespmem:$0x1950] =	vst v1  }
0x29: {  	[tilespmem:$0x1960] =	vst v1  }
0x2a: {  	[tilespmem:$0x1970] =	vst v1  }
0x2b: {  	[tilespmem:$0x1980] =	vst v1  }
0x2c: {  	[tilespmem:$0x1990] =	vst v1  }
0x2d: {  	[tilespmem:$0x19A0] =	vst v1  }
0x2e: {  	[tilespmem:$0x19B0] =	vst v1  }
0x2f: {  	[tilespmem:$0x19C0] =	vst v1  }
0x30: {  	[tilespmem:$0x19D0] =	vst v1  }
0x31: {  	[tilespmem:$0x19E0] =	vst v1  }
0x32: {  	[tilespmem:$0x19F0] =	vst v1  }
0x33: {  	[tilespmem:$0x1A00] =	vst v1  }
0x34: {  	[tilespmem:$0x1A10] =	vst v1  }
0x35: {  	[tilespmem:$0x1A20] =	vst v1  }
0x36: {  	[tilespmem:$0x1A30] =	vst v1  }
0x37: {  	[tilespmem:$0x1A40] =	vst v1  }
0x38: {  	[tilespmem:$0x1A50] =	vst v1  }
0x39: {  	[tilespmem:$0x1A60] =	vst v1  }
0x3a: {  	[tilespmem:$0x1A70] =	vst v1  }
0x3b: {  	[tilespmem:$0x1A80] =	vst v1  }
0x3c: {  	[tilespmem:$0x1A90] =	vst v1  }
0x3d: {  	[tilespmem:$0x1AA0] =	vst v1  }
0x3e: {  	[tilespmem:$0x1AB0] =	vst v1  }
0x3f: {  	[tilespmem:$0x1AC0] =	vst v1  }
0x40: {  	[tilespmem:$0x1AD0] =	vst v1  }
0x41: {  	[tilespmem:$0x1AE0] =	vst v1  }
0x42: {  	s15 =	simm.s32 $0x1880;
	[tilespmem:$0x1AF0] =	vst v1  }
0x43: {  	[spmem:s5] =	stream.linear.scatter [tilespmem:s15], [sflag:$0x3], $0x280, $0x38;
	[tilespmem:$0x1D80] =	vst v63  }
0x44: {  	_ =	swait.ge [sflag:s9], $0x280  }
0x45: {  	[sflag:s9] =	ssyncset.done $0x0  }
0x46: {  	[sflag:s9] =	ssyncadd.s32 $0xFFFFFD80  }
0x47: {  	_ =	swait.ge [sflag:s10], $0x1500  }
0x48: {  	[sflag:s10] =	ssyncset.done $0x0  }
0x49: {  	[sflag:s10] =	ssyncadd.s32 $0xFFFFEB00  }
0x4a: {  	[bflag:$0x0] =	sbarrier.arrive $0xFFFF  }
0x4b: {  	[spmem:s2] =	stream.indirect.scatter.add.f32 [tilespmem:s12], [sflag:$0x2], $0x1, s3, s11, $0xb8;
	[tilespmem:$0x1D80] =	vst v63  }
0x4c: {  	_ = 	snop  }
0x4d: {  	[spmem:s2] =	stream.indirect.scatter.add.f32 [tilespmem:s12], [sflag:$0x2], $0x1, s11, s11, $0xb8;
	[tilespmem:$0x1D80] =	vst v63  }
0x4e: {  	s16 =	simm.s32 $0x100  }
0x4f: {  	[spmem:s2] =	stream.indirect.scatter.add.f32 [tilespmem:s12], [sflag:$0x2], $0x1, s16, s11, $0xb8;
	[tilespmem:$0x1D80] =	vst v63  }
0x50: {  	s16 =	simm.s32 $0x180  }
0x51: {  	[spmem:s2] =	stream.indirect.scatter.add.f32 [tilespmem:s12], [sflag:$0x2], $0x1, s16, s11, $0xb8;
	[tilespmem:$0x1D80] =	vst v63  }
0x52: {  	s16 =	simm.s32 $0x200  }
0x53: {  	[spmem:s2] =	stream.indirect.scatter.add.f32 [tilespmem:s12], [sflag:$0x2], $0x1, s16, s11, $0xb8;
	[tilespmem:$0x1D80] =	vst v63  }
0x54: {  	s16 =	simm.s32 $0x280  }
0x55: {  	[spmem:s2] =	stream.indirect.scatter.add.f32 [tilespmem:s12], [sflag:$0x2], $0x1, s16, s11, $0xb8;
	[tilespmem:$0x1D80] =	vst v63  }
0x56: {  	s16 =	simm.s32 $0x300  }
0x57: {  	[spmem:s2] =	stream.indirect.scatter.add.f32 [tilespmem:s12], [sflag:$0x2], $0x1, s16, s11, $0xb8;
	[tilespmem:$0x1D80] =	vst v63  }
0x58: {  	s16 =	simm.s32 $0x380  }
0x59: {  	[spmem:s2] =	stream.indirect.scatter.add.f32 [tilespmem:s12], [sflag:$0x2], $0x1, s16, s11, $0xb8;
	[tilespmem:$0x1D80] =	vst v63  }
0x5a: {  	s16 =	simm.s32 $0x400  }
0x5b: {  	[spmem:s2] =	stream.indirect.scatter.add.f32 [tilespmem:s12], [sflag:$0x2], $0x1, s16, s11, $0xb8;
	[tilespmem:$0x1D80] =	vst v63  }
0x5c: {  	s16 =	simm.s32 $0x480  }
0x5d: {  	[spmem:s2] =	stream.indirect.scatter.add.f32 [tilespmem:s12], [sflag:$0x2], $0x1, s16, s11, $0xb8;
	[tilespmem:$0x1D80] =	vst v63  }
0x5e: {  	s16 =	simm.s32 $0x500  }
0x5f: {  	[spmem:s2] =	stream.indirect.scatter.add.f32 [tilespmem:s12], [sflag:$0x2], $0x1, s16, s11, $0xb8;
	[tilespmem:$0x1D80] =	vst v63  }
0x60: {  	s16 =	simm.s32 $0x580  }
0x61: {  	[spmem:s2] =	stream.indirect.scatter.add.f32 [tilespmem:s12], [sflag:$0x2], $0x1, s16, s11, $0xb8;
	[tilespmem:$0x1D80] =	vst v63  }
0x62: {  	s16 =	simm.s32 $0x600  }
0x63: {  	[spmem:s2] =	stream.indirect.scatter.add.f32 [tilespmem:s12], [sflag:$0x2], $0x1, s16, s11, $0xb8;
	[tilespmem:$0x1D80] =	vst v63  }
0x64: {  	s16 =	simm.s32 $0x680  }
0x65: {  	[spmem:s2] =	stream.indirect.scatter.add.f32 [tilespmem:s12], [sflag:$0x2], $0x1, s16, s11, $0xb8;
	[tilespmem:$0x1D80] =	vst v63  }
0x66: {  	s16 =	simm.s32 $0x700  }
0x67: {  	[spmem:s2] =	stream.indirect.scatter.add.f32 [tilespmem:s12], [sflag:$0x2], $0x1, s16, s11, $0xb8;
	[tilespmem:$0x1D80] =	vst v63  }
0x68: {  	s16 =	simm.s32 $0x780  }
0x69: {  	[spmem:s2] =	stream.indirect.scatter.add.f32 [tilespmem:s12], [sflag:$0x2], $0x1, s16, s11, $0xb8;
	[tilespmem:$0x1D80] =	vst v63  }
0x6a: {  	s16 =	simm.s32 $0x800  }
0x6b: {  	[spmem:s2] =	stream.indirect.scatter.add.f32 [tilespmem:s12], [sflag:$0x2], $0x1, s16, s11, $0xb8;
	[tilespmem:$0x1D80] =	vst v63  }
0x6c: {  	s16 =	simm.s32 $0x880  }
0x6d: {  	[spmem:s2] =	stream.indirect.scatter.add.f32 [tilespmem:s12], [sflag:$0x2], $0x1, s16, s11, $0xb8;
	[tilespmem:$0x1D80] =	vst v63  }
0x6e: {  	s16 =	simm.s32 $0x900  }
0x6f: {  	[spmem:s2] =	stream.indirect.scatter.add.f32 [tilespmem:s12], [sflag:$0x2], $0x1, s16, s11, $0xb8;
	[tilespmem:$0x1D80] =	vst v63  }
0x70: {  	s16 =	simm.s32 $0x980  }
0x71: {  	[spmem:s2] =	stream.indirect.scatter.add.f32 [tilespmem:s12], [sflag:$0x2], $0x1, s16, s11, $0xb8;
	[tilespmem:$0x1D80] =	vst v63  }
0x72: {  	s16 =	simm.s32 $0xA00  }
0x73: {  	[spmem:s2] =	stream.indirect.scatter.add.f32 [tilespmem:s12], [sflag:$0x2], $0x1, s16, s11, $0xb8;
	[tilespmem:$0x1D80] =	vst v63  }
0x74: {  	s16 =	simm.s32 $0xA80  }
0x75: {  	[spmem:s2] =	stream.indirect.scatter.add.f32 [tilespmem:s12], [sflag:$0x2], $0x1, s16, s11, $0xb8;
	[tilespmem:$0x1D80] =	vst v63  }
0x76: {  	s16 =	simm.s32 $0xB00  }
0x77: {  	[spmem:s2] =	stream.indirect.scatter.add.f32 [tilespmem:s12], [sflag:$0x2], $0x1, s16, s11, $0xb8;
	[tilespmem:$0x1D80] =	vst v63  }
0x78: {  	s16 =	simm.s32 $0xB80  }
0x79: {  	[spmem:s2] =	stream.indirect.scatter.add.f32 [tilespmem:s12], [sflag:$0x2], $0x1, s16, s11, $0xb8;
	[tilespmem:$0x1D80] =	vst v63  }
0x7a: {  	s16 =	simm.s32 $0xC00  }
0x7b: {  	[spmem:s2] =	stream.indirect.scatter.add.f32 [tilespmem:s12], [sflag:$0x2], $0x1, s16, s11, $0xb8;
	[tilespmem:$0x1D80] =	vst v63  }
0x7c: {  	s16 =	simm.s32 $0xC80  }
0x7d: {  	[spmem:s2] =	stream.indirect.scatter.add.f32 [tilespmem:s12], [sflag:$0x2], $0x1, s16, s11, $0xb8;
	[tilespmem:$0x1D80] =	vst v63  }
0x7e: {  	s16 =	simm.s32 $0xD00  }
0x7f: {  	[spmem:s2] =	stream.indirect.scatter.add.f32 [tilespmem:s12], [sflag:$0x2], $0x1, s16, s11, $0xb8;
	[tilespmem:$0x1D80] =	vst v63  }
0x80: {  	_ = 	snop  }
0x81: {  	[spmem:s2] =	stream.indirect.scatter.add.f32 [tilespmem:s12], [sflag:$0x2], $0x1, s17, s11, $0xb8;
	[tilespmem:$0x1D80] =	vst v63  }
0x82: {  	_ = 	snop  }
0x83: {  	[spmem:s2] =	stream.indirect.scatter.add.f32 [tilespmem:s12], [sflag:$0x2], $0x1, s18, s11, $0xb8;
	[tilespmem:$0x1D80] =	vst v63  }
0x84: {  	_ = 	snop  }
0x85: {  	[spmem:s2] =	stream.indirect.scatter.add.f32 [tilespmem:s12], [sflag:$0x2], $0x1, s19, s11, $0xb8;
	[tilespmem:$0x1D80] =	vst v63  }
0x86: {  	_ = 	snop  }
0x87: {  	[spmem:s2] =	stream.indirect.scatter.add.f32 [tilespmem:s12], [sflag:$0x2], $0x1, s20, s11, $0xb8;
	[tilespmem:$0x1D80] =	vst v63  }
0x88: {  	_ = 	snop  }
0x89: {  	[spmem:s2] =	stream.indirect.scatter.add.f32 [tilespmem:s12], [sflag:$0x2], $0x1, s21, s11, $0xb8;
	[tilespmem:$0x1D80] =	vst v63  }
0x8a: {  	_ = 	snop  }
0x8b: {  	[spmem:s2] =	stream.indirect.scatter.add.f32 [tilespmem:s12], [sflag:$0x2], $0x1, s22, s11, $0xb8;
	[tilespmem:$0x1D80] =	vst v63  }
0x8c: {  	_ = 	snop  }
0x8d: {  	[spmem:s2] =	stream.indirect.scatter.add.f32 [tilespmem:s12], [sflag:$0x2], $0x1, s23, s11, $0xb8;
	[tilespmem:$0x1D80] =	vst v63  }
0x8e: {  	_ = 	snop  }
0x8f: {  	[spmem:s2] =	stream.indirect.scatter.add.f32 [tilespmem:s12], [sflag:$0x2], $0x1, s24, s11, $0xb8;
	[tilespmem:$0x1D80] =	vst v63  }
0x90: {  	_ = 	snop  }
0x91: {  	[spmem:s2] =	stream.indirect.scatter.add.f32 [tilespmem:s12], [sflag:$0x2], $0x1, s25, s11, $0xb8;
	[tilespmem:$0x1D80] =	vst v63  }
0x92: {  	_ = 	snop  }
0x93: {  	[spmem:s2] =	stream.indirect.scatter.add.f32 [tilespmem:s12], [sflag:$0x2], $0x1, s26, s11, $0xb8;
	[tilespmem:$0x1D80] =	vst v63  }
0x94: {  	_ = 	snop  }
0x95: {  	[spmem:s2] =	stream.indirect.scatter.add.f32 [tilespmem:s12], [sflag:$0x2], $0x1, s28, s11, $0xb8;
	[tilespmem:$0x1D80] =	vst v63  }
0x96: {  	_ = 	snop  }
0x97: {  	[spmem:s2] =	stream.indirect.scatter.add.f32 [tilespmem:s12], [sflag:$0x2], $0x1, s29, s11, $0xb8;
	[tilespmem:$0x1D80] =	vst v63  }
0x98: {  	_ = 	snop  }
0x99: {  	[spmem:s2] =	stream.indirect.scatter.add.f32 [tilespmem:s12], [sflag:$0x2], $0x1, s30, s11, $0xb8;
	[tilespmem:$0x1D80] =	vst v63  }
0x9a: {  	_ = 	snop  }
0x9b: {  	[spmem:s2] =	stream.indirect.scatter.add.f32 [tilespmem:s12], [sflag:$0x2], $0x1, s31, s11, $0xb8;
	[tilespmem:$0x1D80] =	vst v63  }
0x9c: {  	_ = 	snop  }
0x9d: {  	[spmem:s2] =	stream.indirect.scatter.add.f32 [tilespmem:s12], [sflag:$0x2], $0x1, s0, s11, $0xb8;
	[tilespmem:$0x1D80] =	vst v63  }
0x9e: {  	_ =	swait.ge [sflag:s1], $0x80  }
0x9f: {  	s15 =	simm.s32 $0x29;
	[sflag:s1] =	ssyncset.done $0x0  }
.LBB2_2:
0xa0: {  	p0 =	sne.s32 s15, $0x1;
	s15 =	sadd.s32 $0xFFFFFFFF, s15;
	[sflag:s1] =	ssyncadd.s32 $0xFFFFFF80  }
.Ltmp0:
0xa1: {  	(pc) =	sbr.rel @p0 .LBB2_2-.Ltmp0, $3  }
0xa2: {  	_ =	sdelay $0x1  }
0xa3: {  	_ =	swait.ge [sflag:s1], $0x80  }
0xa4: {  	[sflag:s1] =	ssyncset.done $0x0  }
0xa5: {  	[sflag:s1] =	ssyncadd.s32 $0xFFFFFF80;
	s15 =	stileid.u32;
	s14 =	sadd.s32 $0x1, s14  }
0xa6: {  	s16 =	sshrl.u32 s5, $0x3;
	s15 =	sshll.u32 s15, $0x6;
	p0 =	sne.s32 s14, s7  }
.Ltmp1:
0xa7: {  	[bflag:$0x0] =	sbarrier.arrive $0xFFFF;
	s15 =	sor.u32 $0x1C03, s15;
	(pc) =	sbr.rel @p0 .LBB2_1-.Ltmp1, $4  }
0xa8: {  	[hbm:s6@s8], [sflag:s15] =	dma.strided [spmem:s16@s13], $0x50, s10, $0x10   }
0xa9: {  	_ =	swait.ge [sflag:s9], $0x50  }
0xaa: {  	[sflag:s9] =	ssyncset.done $0x0  }
0xab: {  	[sflag:s9] =	ssyncadd.s32 $0xFFFFFFB0  }
0xac: {  	_ =	sfence.sel $0x180000  }
0xad: {  	[bflag:$0x0] =	sbarrier.arrive $0xFFFF  }
0xae: {  	_ =	strace $0x90000047  }
0xaf: {  	s0 =	stileid.u32;
	[bflag:$0x2] =	sbarrier.arrive $0xFFFF  }
0xb0: {  	p0 =	sne.s32 s0, $0x0;
	s0 =	rddreg [dreg:$0x2]  }
0xb1: {  	s0 =	sadd.s32 @!p0 $0x100000, s0  }
0xb2: {  	[sflag:s0] =	ssyncadd.tile.s32 @!p0 $0x1;
	_ =	shalt  }
.Lfunc_end2:
_tile_overlayer_lowered:
.L_overlay_start_2:
0xb3: {  	(tag) =	ssettag $0x2  }
0xb4: {  	s0 =	rddreg [dreg:$0x0];
	s2 =	stileid.u32  }
0xb5: {  	s1 =	rddreg [dreg:$0x1];
	p0 =	sne.s32 s2, $0x0  }
0xb6: {  	s3 =	rddreg [dreg:$0x2];
	[bflag:$0x3] =	sbarrier.arrive $0xFFFF;
	s2 =	simm.s32 @!p0 $0x1C03  }
0xb7: {  	[timem:s3], [sflag:s2] =	dma.local @!p0 [hbm:s0], s1  }
0xb8: {  	s0 =	simm.s32 @!p0 $0x3  }
0xb9: {  	_ =	swait.ge @!p0 [sflag:s0], s1  }
0xba: {  	s1 =	ssub.s32 @!p0 $0x0, s1;
	[sflag:s0] =	ssyncset.done @!p0 $0x0  }
0xbb: {  	[sflag:s0] =	ssyncadd.s32 @!p0 s1  }
0xbc: {  	[bflag:$0x3] =	sbarrier.arrive $0xFFFF  }
0xbd: {  	_ =	shalt  }

// kernel: kernel.9.cloned.1.call-start
scs
__scs_entry_jumppad:
0x0: {  	(pc) =	sbr.rel $0x88, $3  }
0x1: {  	(tag) =	ssettag $0x0;
	lr =	simm.s32 $0x1  }
0x2: {  	[smem:$0x3F99] =	sst lr;
	_ =	strace $0xD0000000  }
0x3: {  	_ = 	snop  }
0x4: {  	_ = 	snop  }
0x5: {  	_ = 	snop  }
0x6: {  	_ = 	snop  }
0x7: {  	_ = 	snop  }
__scs_overlays_trampoline_lowered:
0x8: {  	[smem:$0x3FA8] =	sst s0  }
0x9: {  	[smem:$0x3FA9] =	sst s1  }
0xa: {  	[smem:$0x3FAA] =	sst s2  }
0xb: {  	[smem:$0x3FAB] =	sst s3  }
0xc: {  	[smem:$0x3FAC] =	sst s4  }
0xd: {  	[smem:$0x3FAD] =	sst s5  }
0xe: {  	[smem:$0x3FAE] =	sst s6  }
0xf: {  	[smem:$0x3FAF] =	sst s7  }
0x10: {  	[smem:$0x3FB0] =	sst s8  }
0x11: {  	[smem:$0x3FB1] =	sst s9;
	s0 =	simm.s32 @!p0 $0x0  }
0x12: {  	s1 =	sld [smem:$0x3F97];
	s0 =	simm.s32 @p0 $0x1  }
0x13: {  	[smem:$0x3FB2] =	sst s0;
	s0 =	simm.s32 @!p1 $0x0  }
0x14: {  	s2 =	sld [smem:$0x3F96];
	s0 =	simm.s32 @p1 $0x1  }
0x15: {  	[smem:$0x3FB3] =	sst s0;
	s0 =	simm.s32 @!p2 $0x0  }
0x16: {  	s3 =	sld [smem:$0x3FDB];
	s0 =	simm.s32 @p2 $0x1  }
0x17: {  	s4 =	simm.s32 $0x1BF5;
	[smem:$0x3FB5] =	sst s0  }
0x18: {  	s0 =	sld [smem:$0x3F98];
	_ =	swait.ge [sflag:s4], $0x0  }
0x19: {  	s7 =	sld [smem:$0x3F99]  }
0x1a: {  	s8 =	sadd.s32 $0xFFFFE003, lr  }
0x1b: {  	s9 =	sadd.s32 $0xFFFFFEF7, lr;
	s5 =	simm.s32 $0xFFFFFFFF;
	p2 =	slt.u32 s8, $0xFFFFF086  }
0x1c: {  	p1 =	slt.u32 s9, $0xF7A;
	s5 =	simm.s32 @!p2 $0x0  }
0x1d: {  	s5 =	simm.s32 @p1 $0x1;
	p0 =	seq.s32 s7, s2  }
0x1e: {  	s7 =	smul.u32 @!p0 $0xF7A, s2;
	p2 =	seq.s32 @!p0 s5, $0x0  }
0x1f: {  	s9 =	smul.u32 $0xF7A, s1;
	s8 =	simm.s32 @!p0 $0x1BF5;
	p2 =	por !p2, p0  }
0x20: {  	[sflag:s8] =	ssyncset.s32 @!p0 $0xFFFFF086;
	s6 =	sadd.s32 @!p0 s3, s7;
	s7 =	simm.s32 @!p0 $0x108  }
0x21: {  	s3 =	sadd.s32 s3, s9;
	s6 =	sadd.s32 @!p0 $0x88, s6;
	s7 =	simm.s32 @p2 $0x1082  }
0x22: {  	[simem:s7], [sflag:s8] =	dma.local @!p0 [hbm:s6], $0xF7A  }
0x23: {  	s9 =	sor.u32 $0xD0000000, s2;
	s6 =	simm.s32 $0x108;
	_ =	swait.ge @!p0 [sflag:s8], $0x0  }
0x24: {  	s3 =	sadd.s32 $0x88, s3;
	s6 =	simm.s32 @!p1 $0x1082;
	[sflag:s4] =	ssyncset.s32 $0xFFFFF086  }
0x25: {  	[simem:s6], [sflag:s4] =	dma.local [hbm:s3], $0xF7A  }
0x26: {  	[smem:$0x3F99] =	sst s1;
	(tag) =	ssettag s2;
	_ =	strace s9  }
0x27: {  	s1 =	sld [smem:$0x3FA9]  }
0x28: {  	s2 =	sld [smem:$0x3FAA]  }
0x29: {  	s4 =	sld [smem:$0x3FAC]  }
0x2a: {  	p0 =	seq.s32 s5, $0x0;
	s5 =	sld [smem:$0x3FAD]  }
0x2b: {  	s6 =	sld [smem:$0x3FAE]  }
0x2c: {  	s7 =	sld [smem:$0x3FAF]  }
0x2d: {  	s3 =	simm.s32 $0x108;
	s8 =	sld [smem:$0x3FB0]  }
0x2e: {  	s3 =	simm.s32 @!p0 $0x1082;
	s9 =	sld [smem:$0x3FB1]  }
0x2f: {  	lr =	sadd.s32 s0, s3;
	s0 =	sld [smem:$0x3FA8]  }
0x30: {  	s3 =	sld [smem:$0x3FAB]  }
0x31: {  	[smem:$0x3FB4] =	sst s10  }
0x32: {  	s10 =	sld [smem:$0x3FB2];
	_ =	sdelay $0x3  }
0x33: {  	p0 =	seq.s32 s10, $0x1;
	s10 =	sld [smem:$0x3FB4];
	_ =	sdelay $0x3  }
0x34: {  	[smem:$0x3FB4] =	sst s10  }
0x35: {  	s10 =	sld [smem:$0x3FB3];
	_ =	sdelay $0x3  }
0x36: {  	p1 =	seq.s32 s10, $0x1;
	s10 =	sld [smem:$0x3FB4];
	_ =	sdelay $0x3  }
0x37: {  	[smem:$0x3FB4] =	sst s10  }
0x38: {  	s10 =	sld [smem:$0x3FB5]  }
0x39: {  	_ = 	snop;
	(pc) =	sbr.ind lr, $3  }
0x3a: {  	_ = 	snop  }
0x3b: {  	_ = 	snop  }
0x3c: {  	p2 =	seq.s32 s10, $0x1;
	s10 =	sld [smem:$0x3FB4]  }
0x3d: {  	_ =	shalt  }
0x3e: {  	_ =	shalt  }
0x3f: {  	_ =	shalt  }
0x40: {  	_ =	shalt  }
0x41: {  	_ =	shalt  }
0x42: {  	_ =	shalt  }
0x43: {  	_ =	shalt  }
0x44: {  	_ =	shalt  }
0x45: {  	_ =	shalt  }
0x46: {  	_ =	shalt  }
0x47: {  	_ =	shalt  }
0x48: {  	_ =	shalt  }
0x49: {  	_ =	shalt  }
0x4a: {  	_ =	shalt  }
0x4b: {  	_ =	shalt  }
0x4c: {  	_ =	shalt  }
0x4d: {  	_ =	shalt  }
0x4e: {  	_ =	shalt  }
0x4f: {  	_ =	shalt  }
0x50: {  	_ =	shalt  }
0x51: {  	_ =	shalt  }
0x52: {  	_ =	shalt  }
0x53: {  	_ =	shalt  }
0x54: {  	_ =	shalt  }
0x55: {  	_ =	shalt  }
0x56: {  	_ =	shalt  }
0x57: {  	_ =	shalt  }
0x58: {  	_ =	shalt  }
0x59: {  	_ =	shalt  }
0x5a: {  	_ =	shalt  }
0x5b: {  	_ =	shalt  }
0x5c: {  	_ =	shalt  }
0x5d: {  	_ =	shalt  }
0x5e: {  	_ =	shalt  }
0x5f: {  	_ =	shalt  }
0x60: {  	_ =	shalt  }
0x61: {  	_ =	shalt  }
0x62: {  	_ =	shalt  }
0x63: {  	_ =	shalt  }
0x64: {  	_ =	shalt  }
0x65: {  	_ =	shalt  }
0x66: {  	_ =	shalt  }
0x67: {  	_ =	shalt  }
0x68: {  	_ =	shalt  }
0x69: {  	_ =	shalt  }
0x6a: {  	_ =	shalt  }
0x6b: {  	_ =	shalt  }
0x6c: {  	_ =	shalt  }
0x6d: {  	_ =	shalt  }
0x6e: {  	_ =	shalt  }
0x6f: {  	_ =	shalt  }
0x70: {  	_ =	shalt  }
0x71: {  	_ =	shalt  }
0x72: {  	_ =	shalt  }
0x73: {  	_ =	shalt  }
0x74: {  	_ =	shalt  }
0x75: {  	_ =	shalt  }
0x76: {  	_ =	shalt  }
0x77: {  	_ =	shalt  }
0x78: {  	_ =	shalt  }
0x79: {  	_ =	shalt  }
0x7a: {  	_ =	shalt  }
0x7b: {  	_ =	shalt  }
0x7c: {  	_ =	shalt  }
0x7d: {  	_ =	shalt  }
0x7e: {  	_ =	shalt  }
0x7f: {  	_ =	shalt  }
0x80: {  	_ =	shalt  }
0x81: {  	_ =	shalt  }
0x82: {  	_ =	shalt  }
0x83: {  	_ =	shalt  }
0x84: {  	_ =	shalt  }
0x85: {  	_ =	shalt  }
0x86: {  	_ =	shalt  }
0x87: {  	_ =	shalt  }
.Lfunc_end0:
.L_simem_size_0:
called_computation.1_lowered:
.L_overlay_start_0:
0x88: {  	s2 =	sld [smem:$0x3FD9]  }
0x89: {  	s3 =	sld [smem:$0x3FFE];
	_ =	sdelay $0x1  }
0x8a: {  	s1 =	srdreg.scid  }
0x8b: {  	s0 =	sand.u32 $0x1, s1  }
0x8c: {  	s16 =	sshll.u32 s0, $0xA;
	s2 =	sadd.s32 s3, s2  }
0x8d: {  	s2 =	sadd.s32 s2, s16  }
0x8e: {  	[smem:$0x3FC0] =	sst s2  }
0x8f: {  	_ = 	snop  }
0x90: {  	(tm) =	ssettm $0x1  }
0x91: {  	s17 =	sld [smem:$0x3FFB];
	_ =	sdelay $0x3  }
0x92: {  	_ =	strace s17  }
0x93: {  	s2 =	sld [smem:$0x3FFC];
	_ =	sdelay $0x3  }
0x94: {  	_ =	strace s2  }
0x95: {  	s2 =	sld [smem:$0x3FFD];
	_ =	sdelay $0x3  }
0x96: {  	_ =	strace s2  }
0x97: {  	_ =	strace $0x8FFFFFFF  }
0x98: {  	s18 =	sld [smem:$0x3FDB];
	_ =	sdelay $0x1  }
0x99: {  	s19 =	simm.s32 $_scs_section_size  }
0x9a: {  	s4 =	simm.s32 $_size__tile_overlayer_lowered;
	s5 =	simm.s32 $_tile_overlayer_lowered  }
0x9b: {  	s22 =	simm.s32 $0x1BFF;
	s21 =	sshll.u32 s5, $0x1;
	s2 =	sadd.s32 s19, s18  }
0x9c: {  	s6 =	simm.s32 $0x0;
	s20 =	sshll.u32 s4, $0x1;
	s4 =	sadd.s32 s21, s2  }
0x9d: {  	[timem:s6], [sflag:s22] =	dma.local [hbm:s4], s20  }
0x9e: {  	_ =	swait.ge [sflag:s22], s20  }
0x9f: {  	s3 =	ssub.s32 $0x0, s20;
	[sflag:s22] =	ssyncset.done $0x0  }
0xa0: {  	[sflag:s22] =	ssyncadd.s32 s3;
	_ =	sdelay $0x1  }
0xa1: {  	s23 =	simm.s32 $0x1B8B  }
0xa2: {  	_ =	swait.ge [sflag:s23], $0x1  }
0xa3: {  	[sflag:s23] =	ssyncset.done $0x0  }
0xa4: {  	s25 =	simm.s32 $0x1B8E;
	s24 =	sld [smem:$0x3FFE];
	[sflag:s23] =	ssyncadd.s32 $0xFFFFFFFF  }
0xa5: {  	s26 =	simm.s32 $execute0_lowered;
	[smem:$0x3FD2] =	sst s25  }
0xa6: {  	s4 =	sshll.u32 s26, $0x1;
	_ =	strace $0x80000049;
	[dreg:$0x1] =	wrdreg $0xFFFFFFFF  }
0xa7: {  	s28 =	simm.s32 $_size_execute0_lowered;
	s2 =	sadd.s32 s2, s4;
	[dreg:$0x0] =	wrdreg $0x0  }
0xa8: {  	s4 =	sshll.u32 s28, $0x1;
	[dreg:$0x2] =	wrdreg s2  }
0xa9: {  	[dreg:$0x3] =	wrdreg s4  }
0xaa: {  	[dreg:$0x4] =	wrdreg $0xC0  }
0xab: {  	_ =	task [dreg:s6], $0x5FFFF  }
0xac: {  	[dreg:$0x1] =	wrdreg $0xFFFFFFFF  }
0xad: {  	[dreg:$0x0] =	wrdreg $0x60  }
0xae: {  	[dreg:$0x2] =	wrdreg s24  }
0xaf: {  	[dreg:$0x3] =	wrdreg $0xB9800  }
0xb0: {  	[dreg:$0x4] =	wrdreg $0x1FC000  }
0xb1: {  	[dreg:$0x5] =	wrdreg $0x1F9800  }
0xb2: {  	[dreg:$0x6] =	wrdreg $0x9  }
0xb3: {  	_ =	task.clear_ibuf [dreg:s6], $0x7FFFF;
	_ =	strace $0x90000049  }
0xb4: {  	s29 =	simm.s32 $0x9;
	_ =	strace $0x8000004B  }
0xb5: {  	_ =	swait.ge [sflag:s29], $0x1  }
0xb6: {  	[sflag:s29] =	ssyncadd.s32 $0xFFFFFFFF  }
0xb7: {  	_ =	strace $0x9000004B  }
0xb8: {  	_ =	sfence  }
0xb9: {  	s30 =	sld [smem:$0x0];
	_ =	sdelay $0x2  }
0xba: {  	s31 =	sshll.u32 s1, $0xD;
	s1 =	sshrl.u32 s1, $0x2  }
0xbb: {  	s3 =	sand.u32 $0x4000, s31;
	s1 =	sadd.s32 s1, s30  }
0xbc: {  	s0 =	sor.u32 s3, s0;
	s1 =	sshll.u32 s1, $0x11  }
0xbd: {  	s0 =	sor.u32 s1, s0  }
0xbe: {  	s0 =	sadd.s32 $0x8F2B, s0  }
0xbf: {  	[sflag:s0] =	ssyncadd.remote.s32 $0x1  }
0xc0: {  	_ =	sfence.sel $0xFFFF  }
0xc1: {  	[dreg:$0x0] =	wrdreg $0xFFFFFFFF;
	(pc) =	sbr.abs _section_cstart, $3  }
0xc2: {  	[dreg:$0x1] =	wrdreg $0xFFFFFFFF  }
0xc3: {  	_ =	task.clear_ibuf [dreg:s6], $0x2FFFF;
	_ =	strace $0x9FFFFFFF  }
0xc4: {  	(tm) =	ssettm $0x7FFFFFFF  }
0xc5: {  	_ =	shalt  }
tec
execute0_lowered:
.L_overlay_start_1:
0x0: {  	(tag) =	ssettag $0x1  }
0x1: {  	s0 =	srdreg.scid;
	s2 =	rddreg [dreg:$0x0]  }
0x2: {  	s13 =	stileid.u32;
	s1 =	rddreg [dreg:$0x1];
	s5 =	simm.s32 $0x0  }
0x3: {  	s28 =	simm.s32 $0x3000;
	s29 =	simm.s32 $0xB000;
	s8 =	smul.u32 $0x14000, s13  }
0x4: {  	s30 =	simm.s32 $0x7000;
	s15 =	simm.s32 $0x2C80;
	s17 =	smul.u32 $0x500, s13  }
0x5: {  	s16 =	simm.s32 $0x0;
	s0 =	sand.u32 $0x1, s0;
	s19 =	smul.u32 $0x50000, s13  }
0x6: {  	[smem:$0x7FF] =	sst s5;
	s10 =	sadd.s32 $0x7A00, s2;
	s12 =	smul.u32 $0xA00, s13  }
0x7: {  	p1 =	seq.s32 s13, $0x0;
	p0 =	sne.s32 s13, $0x0;
	s3 =	sshll.u32 s0, $0x4  }
0x8: {  	s7 =	smul.u32 $0x140000, s0;
	s18 =	sshll.u32 s0, $0x7;
	s0 =	ssub.s32 $0x2, s0  }
0x9: {  	s4 =	sor.u32 s13, s3;
	s3 =	rddreg [dreg:$0x2];
	s11 =	sshrl.u32 s0, $0x1  }
0xa: {  	s22 =	sshrl.u32 s19, $0x2;
	s23 =	sshrl.u32 s12, $0x2;
	s19 =	simm.s32 $0x1800  }
0xb: {  	s13 =	simm.s32 $0x8;
	s6 =	smul.u32 $0x300, s4;
	s4 =	rddreg [dreg:$0x3]  }
0xc: {  	_ =	strace $0x8000004A;
	s7 =	sadd.s32 s8, s7;
	[dreg:$0x5] =	wrdreg s10  }
0xd: {  	s8 =	sor.u32 s18, s17;
	s0 =	ssub.s32 s0, s11;
	s10 =	sadd.s32 s22, s1  }
0xe: {  	s22 =	simm.s32 $0x9;
	s11 =	simm.s32 $0x6;
	s7 =	sshrl.u32 s7, $0x3  }
0xf: {  	s8 =	sshrl.u32 s8, $0x3;
	s12 =	sadd.s32 s23, s4;
	s0 =	smax.u32 s0, $0x1  }
0x10: {  	s23 =	simm.s32 $0xB900;
	[dreg:$0xa] =	wrdreg s0;
	s24 =	sadd.s32 $0x80, s12  }
0x11: {  	s9 =	sadd.s32 s6, s2;
	s25 =	sadd.s32 $0x100, s12;
	[dreg:$0xb] =	wrdreg s24  }
0x12: {  	s6 =	sadd.s32 $0xE400, s2;
	s26 =	sadd.s32 $0x180, s12;
	[dreg:$0xc] =	wrdreg s25  }
0x13: {  	s7 =	sadd.s32 s7, s2;
	s31 =	sadd.s32 $0x200, s12;
	[dreg:$0xd] =	wrdreg s26  }
0x14: {  	s2 =	sadd.s32 s8, s2;
	s0 =	sshrl.u32 @p1 s3, $0x3;
	[dreg:$0xe] =	wrdreg s31  }
0x15: {  	s8 =	simm.s32 $0x7;
	s20 =	sadd.s32 $0x8400, s9;
	[dreg:$0xf] =	wrdreg s0  }
0x16: {  	s21 =	sadd.s32 $0x1A00, s9;
	s7 =	sadd.s32 $0x36400, s7;
	[dreg:$0x6] =	wrdreg s20  }
0x17: {  	s2 =	sadd.s32 $0x86400, s2;
	s24 =	simm.s32 $0x1;
	[dreg:$0x7] =	wrdreg s21  }
0x18: {  	s25 =	simm.s32 $0x2;
	s26 =	simm.s32 $0x80;
	[dreg:$0x8] =	wrdreg s7  }
0x19: {  	s0 =	simm.s32 $0x3;
	s9 =	simm.s32 $0x4;
	[dreg:$0x9] =	wrdreg s2  }
0x1a: {  	v0 =	vimm.f32 $0.0e+00;
	s21 =	simm.s32 $0xB100;
	s2 =	simm.s32 $0xB080;
	s7 =	simm.s32 $0x5  }
.LBB2_1:
0x1b: {  	s14 =	rddreg [dreg:$0x6]  }
0x1c: {  	s18 =	rddreg [dreg:$0x7]  }
0x1d: {  	[tilespmem:s5], [sflag:$0x1] =	stream.linear.gather [hbm4b:s14+s5], $0x1500, $0x38;
	[tilespmem:$0x1FE80] =	vst v63  }
0x1e: {  	s17 =	simm.s32 @p1 $0x1C03;
	s20 =	sand.u32 $0x1E00, s5;
	s14 =	rddreg [dreg:$0x5]  }
0x1f: {  	[tilespmem:s19], [sflag:$0x2] =	stream.linear.gather [hbm4b:s18+s5], $0x1500, $0x38;
	[tilespmem:$0x1FE80] =	vst v63  }
0x20: {  	s31 =	sand.u32 $0x70, s5;
	s20 =	sshrl.u32 s20, $0x2;
	s18 =	rddreg [dreg:$0xf]  }
0x21: {  	[spmem:s18], [sflag:s17] =	dma.local @p1 [hbm:s14], $0x500  }
0x22: {  	s20 =	sor.u32 s31, s20;
	s17 =	simm.s32 $0x40;
	s18 =	simm.s32 $0x0  }
.LBB2_2:
0x23: {  	p2 =	seq.s32 s17, $0x1FC0  }
0x24: {  	[tilespmem:s20+$0xB100] =	vst v0;
	s18 =	sadd.s32 $0x10, s18;
	s20 =	smov.u32 s17;
	s17 =	sadd.s32 $0x40, s17  }
.Ltmp0:
0x25: {  	(pc) =	sbr.rel @!p2 .LBB2_2-.Ltmp0, $4  }
0x26: {  	_ = 	snop  }
0x27: {  	s20 =	sand.u32 $0x1E00, s20  }
0x28: {  	s31 =	sand.u32 $0x70, s18;
	s20 =	sshrl.u32 s20, $0x2  }
0x29: {  	s20 =	sor.u32 s31, s20  }
0x2a: {  	[tilespmem:s20+$0xB100] =	vst v0;
	s17 =	sadd.s32 $0x0, s10  }
0x2b: {  	[spmem:s17] =	stream.linear.scatter [tilespmem:s21], [sflag:$0x9], $0x800, $0x38;
	[tilespmem:$0x1FE80] =	vst v63  }
0x2c: {  	s17 =	simm.s32 $0x2000;
	_ =	swait.ge [sflag:s22], $0x800  }
.LBB2_4:
0x2d: {  	s18 =	sshra.s32 s17, $0x2;
	[sflag:s22] =	ssyncset.done $0x0;
	p2 =	sne.s32 s17, $0x4E000  }
.Ltmp1:
0x2e: {  	s18 =	sadd.s32 s18, s10;
	[sflag:s22] =	ssyncadd.s32 $0xFFFFF800;
	(pc) =	sbr.rel @p2 .LBB2_4-.Ltmp1, $3  }
0x2f: {  	[spmem:s18] =	stream.linear.scatter [tilespmem:s21], [sflag:$0x9], $0x800, $0x38;
	[tilespmem:$0x1FE80] =	vst v63  }
0x30: {  	s17 =	sadd.s32 $0x2000, s17;
	_ =	sdelay $0x1  }
0x31: {  	_ =	swait.ge [sflag:s22], $0x800  }
0x32: {  	[sflag:s22] =	ssyncset.done $0x0  }
0x33: {  	[sflag:s22] =	ssyncadd.s32 $0xFFFFF800  }
0x34: {  	[tilespmem:$0xB900] =	vst v0  }
0x35: {  	[tilespmem:$0xB910] =	vst v0  }
0x36: {  	[tilespmem:$0xB920] =	vst v0  }
0x37: {  	[tilespmem:$0xB930] =	vst v0  }
0x38: {  	[tilespmem:$0xB940] =	vst v0  }
0x39: {  	[tilespmem:$0xB950] =	vst v0  }
0x3a: {  	[tilespmem:$0xB960] =	vst v0  }
0x3b: {  	[tilespmem:$0xB970] =	vst v0  }
0x3c: {  	[spmem:s12] =	stream.linear.scatter [tilespmem:s23], [sflag:$0x9], $0x80, $0x38;
	[tilespmem:$0x1FE80] =	vst v63  }
0x3d: {  	_ =	swait.ge [sflag:s22], $0x80  }
0x3e: {  	[sflag:s22] =	ssyncset.done $0x0  }
0x3f: {  	s14 =	rddreg [dreg:$0xb];
	[sflag:s22] =	ssyncadd.s32 $0xFFFFFF80  }
0x40: {  	[spmem:s14] =	stream.linear.scatter [tilespmem:s23], [sflag:$0x9], $0x80, $0x38;
	[tilespmem:$0x1FE80] =	vst v63  }
0x41: {  	_ =	swait.ge [sflag:s22], $0x80  }
0x42: {  	[sflag:s22] =	ssyncset.done $0x0  }
0x43: {  	s31 =	rddreg [dreg:$0xc];
	[sflag:s22] =	ssyncadd.s32 $0xFFFFFF80  }
0x44: {  	[spmem:s31] =	stream.linear.scatter [tilespmem:s23], [sflag:$0x9], $0x80, $0x38;
	[tilespmem:$0x1FE80] =	vst v63  }
0x45: {  	_ =	swait.ge [sflag:s22], $0x80  }
0x46: {  	[sflag:s22] =	ssyncset.done $0x0  }
0x47: {  	s17 =	rddreg [dreg:$0xd];
	[sflag:s22] =	ssyncadd.s32 $0xFFFFFF80  }
0x48: {  	[spmem:s17] =	stream.linear.scatter [tilespmem:s23], [sflag:$0x9], $0x80, $0x38;
	[tilespmem:$0x1FE80] =	vst v63  }
0x49: {  	_ =	swait.ge [sflag:s22], $0x80  }
0x4a: {  	[sflag:s22] =	ssyncset.done $0x0  }
0x4b: {  	s18 =	rddreg [dreg:$0xe];
	[sflag:s22] =	ssyncadd.s32 $0xFFFFFF80  }
0x4c: {  	[spmem:s18] =	stream.linear.scatter [tilespmem:s23], [sflag:$0x9], $0x80, $0x38;
	[tilespmem:$0x1FE80] =	vst v63  }
0x4d: {  	_ =	swait.ge [sflag:s22], $0x80  }
0x4e: {  	[sflag:s22] =	ssyncset.done $0x0  }
0x4f: {  	[sflag:s22] =	ssyncadd.s32 $0xFFFFFF80  }
0x50: {  	_ =	swait.ge [sflag:s24], $0x1500  }
0x51: {  	[sflag:s24] =	ssyncset.done $0x0  }
0x52: {  	[sflag:s24] =	ssyncadd.s32 $0xFFFFEB00  }
0x53: {  	_ =	swait.ge [sflag:s25], $0x1500  }
0x54: {  	[sflag:s25] =	ssyncset.done $0x0  }
0x55: {  	s17 =	simm.s32 @!p0 $0x3;
	[sflag:s25] =	ssyncadd.s32 $0xFFFFEB00  }
0x56: {  	_ =	swait.ge @!p0 [sflag:s17], $0x500  }
0x57: {  	[sflag:s17] =	ssyncset.done @!p0 $0x0  }
0x58: {  	[sflag:s17] =	ssyncadd.s32 @!p0 $0xFFFFFB00  }
0x59: {  	s20 =	simm.s32 $0x0;
	[bflag:$0x0] =	sbarrier.arrive $0xFFFF  }
0x5a: {  	[tilespmem:s28], [sflag:$0x1] =	stream.indirect.gather [hbm4b:s6+s26], $0x80, s20, s26, $0xb8;
	[tilespmem:$0x1FE80] =	vst v63  }
0x5b: {  	_ = 	snop  }
0x5c: {  	[tilespmem:s29], [sflag:$0x3] =	stream.indirect.gather [spmem:s3], $0x1, s19, s26, $0xb8;
	[tilespmem:$0x1FE80] =	vst v63  }
0x5d: {  	_ = 	snop  }
0x5e: {  	[tilespmem:s30], [sflag:$0x2] =	stream.indirect.gather [hbm4b:s6+s26], $0x80, s26, s26, $0xb8;
	[tilespmem:$0x1FE80] =	vst v63  }
0x5f: {  	s31 =	simm.s32 $0x1880  }
0x60: {  	[tilespmem:s2], [sflag:$0x4] =	stream.indirect.gather [spmem:s3], $0x1, s31, s26, $0xb8;
	[tilespmem:$0x1FE80] =	vst v63  }
0x61: {  	_ =	swait.ge [sflag:s24], $0x4000  }
0x62: {  	[sflag:s24] =	ssyncset.done $0x0  }
0x63: {  	[sflag:s24] =	ssyncadd.s32 $0xFFFFC000  }
0x64: {  	_ =	swait.ge [sflag:s0], $0x80  }
0x65: {  	[sflag:s0] =	ssyncset.done $0x0  }
0x66: {  	[sflag:s0] =	ssyncadd.s32 $0xFFFFFF80  }
0x67: {  	[spmem:s1] =	stream.indirect.scatter.add.f32 [tilespmem:s28], [sflag:$0x5], $0x80, s19, s26, $0xb8;
	[tilespmem:$0x1FE80] =	vst v63  }
0x68: {  	_ = 	snop  }
0x69: {  	[spmem:s4] =	stream.indirect.scatter.add.f32 [tilespmem:s29], [sflag:$0x7], $0x1, s20, s26, $0xb8;
	[tilespmem:$0x1FE80] =	vst v63  }
0x6a: {  	_ =	swait.ge [sflag:s7], $0x4000  }
0x6b: {  	[sflag:s7] =	ssyncset.done $0x0  }
0x6c: {  	[sflag:s7] =	ssyncadd.s32 $0xFFFFC000  }
0x6d: {  	_ =	swait.ge [sflag:s8], $0x80  }
0x6e: {  	[sflag:s8] =	ssyncset.done $0x0  }
0x6f: {  	s18 =	simm.s32 $0x100;
	[sflag:s8] =	ssyncadd.s32 $0xFFFFFF80  }
0x70: {  	[tilespmem:s28], [sflag:$0x1] =	stream.indirect.gather [hbm4b:s6+s26], $0x80, s18, s26, $0xb8;
	[tilespmem:$0x1FE80] =	vst v63  }
0x71: {  	s20 =	simm.s32 $0x1900  }
0x72: {  	[tilespmem:s29], [sflag:$0x3] =	stream.indirect.gather [spmem:s3], $0x1, s20, s26, $0xb8;
	[tilespmem:$0x1FE80] =	vst v63  }
0x73: {  	_ =	swait.ge [sflag:s25], $0x4000  }
0x74: {  	[sflag:s25] =	ssyncset.done $0x0  }
0x75: {  	[sflag:s25] =	ssyncadd.s32 $0xFFFFC000  }
0x76: {  	_ =	swait.ge [sflag:s9], $0x80  }
0x77: {  	[sflag:s9] =	ssyncset.done $0x0  }
0x78: {  	[sflag:s9] =	ssyncadd.s32 $0xFFFFFF80  }
0x79: {  	[spmem:s1] =	stream.indirect.scatter.add.f32 [tilespmem:s30], [sflag:$0x6], $0x80, s31, s26, $0xb8;
	[tilespmem:$0x1FE80] =	vst v63  }
0x7a: {  	_ = 	snop  }
0x7b: {  	[spmem:s4] =	stream.indirect.scatter.add.f32 [tilespmem:s2], [sflag:$0x8], $0x1, s26, s26, $0xb8;
	[tilespmem:$0x1FE80] =	vst v63  }
0x7c: {  	_ =	swait.ge [sflag:s11], $0x4000  }
0x7d: {  	[sflag:s11] =	ssyncset.done $0x0  }
0x7e: {  	[sflag:s11] =	ssyncadd.s32 $0xFFFFC000  }
0x7f: {  	_ =	swait.ge [sflag:s13], $0x80  }
0x80: {  	[sflag:s13] =	ssyncset.done $0x0  }
0x81: {  	s17 =	simm.s32 $0x180;
	[sflag:s13] =	ssyncadd.s32 $0xFFFFFF80  }
0x82: {  	[tilespmem:s30], [sflag:$0x2] =	stream.indirect.gather [hbm4b:s6+s26], $0x80, s17, s26, $0xb8;
	[tilespmem:$0x1FE80] =	vst v63  }
0x83: {  	s18 =	simm.s32 $0x1980  }
0x84: {  	[tilespmem:s2], [sflag:$0x4] =	stream.indirect.gather [spmem:s3], $0x1, s18, s26, $0xb8;
	[tilespmem:$0x1FE80] =	vst v63  }
0x85: {  	_ =	swait.ge [sflag:s24], $0x4000  }
0x86: {  	[sflag:s24] =	ssyncset.done $0x0  }
0x87: {  	[sflag:s24] =	ssyncadd.s32 $0xFFFFC000  }
0x88: {  	_ =	swait.ge [sflag:s0], $0x80  }
0x89: {  	[sflag:s0] =	ssyncset.done $0x0  }
0x8a: {  	s20 =	simm.s32 $0x1900;
	[sflag:s0] =	ssyncadd.s32 $0xFFFFFF80  }
0x8b: {  	[spmem:s1] =	stream.indirect.scatter.add.f32 [tilespmem:s28], [sflag:$0x5], $0x80, s20, s26, $0xb8;
	[tilespmem:$0x1FE80] =	vst v63  }
0x8c: {  	s31 =	simm.s32 $0x100  }
0x8d: {  	[spmem:s4] =	stream.indirect.scatter.add.f32 [tilespmem:s29], [sflag:$0x7], $0x1, s31, s26, $0xb8;
	[tilespmem:$0x1FE80] =	vst v63  }
0x8e: {  	_ =	swait.ge [sflag:s7], $0x4000  }
0x8f: {  	[sflag:s7] =	ssyncset.done $0x0  }
0x90: {  	[sflag:s7] =	ssyncadd.s32 $0xFFFFC000  }
0x91: {  	_ =	swait.ge [sflag:s8], $0x80  }
0x92: {  	[sflag:s8] =	ssyncset.done $0x0  }
0x93: {  	s14 =	simm.s32 $0x200;
	[sflag:s8] =	ssyncadd.s32 $0xFFFFFF80  }
0x94: {  	[tilespmem:s28], [sflag:$0x1] =	stream.indirect.gather [hbm4b:s6+s26], $0x80, s14, s26, $0xb8;
	[tilespmem:$0x1FE80] =	vst v63  }
0x95: {  	s31 =	simm.s32 $0x1A00  }
0x96: {  	[tilespmem:s29], [sflag:$0x3] =	stream.indirect.gather [spmem:s3], $0x1, s31, s26, $0xb8;
	[tilespmem:$0x1FE80] =	vst v63  }
0x97: {  	_ =	swait.ge [sflag:s25], $0x4000  }
0x98: {  	[sflag:s25] =	ssyncset.done $0x0  }
0x99: {  	[sflag:s25] =	ssyncadd.s32 $0xFFFFC000  }
0x9a: {  	_ =	swait.ge [sflag:s9], $0x80  }
0x9b: {  	[sflag:s9] =	ssyncset.done $0x0  }
0x9c: {  	[sflag:s9] =	ssyncadd.s32 $0xFFFFFF80  }
0x9d: {  	[spmem:s1] =	stream.indirect.scatter.add.f32 [tilespmem:s30], [sflag:$0x6], $0x80, s18, s26, $0xb8;
	[tilespmem:$0x1FE80] =	vst v63  }
0x9e: {  	s18 =	simm.s32 $0x400  }
.LBB2_6:
0x9f: {  	[spmem:s4] =	stream.indirect.scatter.add.f32 [tilespmem:s2], [sflag:$0x8], $0x1, s17, s26, $0xb8;
	[tilespmem:$0x1FE80] =	vst v63  }
0xa0: {  	s17 =	smov.u32 s18  }
0xa1: {  	p2 =	sne.s32 s18, $0x4800;
	s18 =	sadd.s32 $0x400, s18;
	_ =	swait.ge [sflag:s11], $0x4000  }
0xa2: {  	[sflag:s11] =	ssyncset.done $0x0  }
0xa3: {  	[sflag:s11] =	ssyncadd.s32 $0xFFFFC000  }
0xa4: {  	_ =	swait.ge [sflag:s13], $0x80  }
0xa5: {  	s20 =	sshra.s32 s17, $0x2;
	[sflag:s13] =	ssyncset.done $0x0  }
0xa6: {  	s17 =	sadd.s32 $0x180, s20;
	[sflag:s13] =	ssyncadd.s32 $0xFFFFFF80  }
0xa7: {  	[tilespmem:s30], [sflag:$0x2] =	stream.indirect.gather [hbm4b:s6+s26], $0x80, s17, s26, $0xb8;
	[tilespmem:$0x1FE80] =	vst v63  }
0xa8: {  	s31 =	sadd.s32 $0x1980, s20  }
0xa9: {  	[tilespmem:s2], [sflag:$0x4] =	stream.indirect.gather [spmem:s3], $0x1, s31, s26, $0xb8;
	[tilespmem:$0x1FE80] =	vst v63  }
0xaa: {  	_ =	swait.ge [sflag:s24], $0x4000  }
0xab: {  	[sflag:s24] =	ssyncset.done $0x0  }
0xac: {  	[sflag:s24] =	ssyncadd.s32 $0xFFFFC000  }
0xad: {  	_ =	swait.ge [sflag:s0], $0x80  }
0xae: {  	[sflag:s0] =	ssyncset.done $0x0  }
0xaf: {  	s14 =	sadd.s32 $0x1900, s20;
	[sflag:s0] =	ssyncadd.s32 $0xFFFFFF80  }
0xb0: {  	[spmem:s1] =	stream.indirect.scatter.add.f32 [tilespmem:s28], [sflag:$0x5], $0x80, s14, s26, $0xb8;
	[tilespmem:$0x1FE80] =	vst v63  }
0xb1: {  	s14 =	sadd.s32 $0x100, s20  }
0xb2: {  	[spmem:s4] =	stream.indirect.scatter.add.f32 [tilespmem:s29], [sflag:$0x7], $0x1, s14, s26, $0xb8;
	[tilespmem:$0x1FE80] =	vst v63  }
0xb3: {  	_ =	swait.ge [sflag:s7], $0x4000  }
0xb4: {  	[sflag:s7] =	ssyncset.done $0x0  }
0xb5: {  	[sflag:s7] =	ssyncadd.s32 $0xFFFFC000  }
0xb6: {  	_ =	swait.ge [sflag:s8], $0x80  }
0xb7: {  	[sflag:s8] =	ssyncset.done $0x0  }
0xb8: {  	s14 =	sadd.s32 $0x200, s20;
	[sflag:s8] =	ssyncadd.s32 $0xFFFFFF80  }
0xb9: {  	[tilespmem:s28], [sflag:$0x1] =	stream.indirect.gather [hbm4b:s6+s26], $0x80, s14, s26, $0xb8;
	[tilespmem:$0x1FE80] =	vst v63  }
0xba: {  	s14 =	sadd.s32 $0x1A00, s20  }
0xbb: {  	[tilespmem:s29], [sflag:$0x3] =	stream.indirect.gather [spmem:s3], $0x1, s14, s26, $0xb8;
	[tilespmem:$0x1FE80] =	vst v63  }
0xbc: {  	_ =	swait.ge [sflag:s25], $0x4000  }
0xbd: {  	[sflag:s25] =	ssyncset.done $0x0  }
.Ltmp2:
0xbe: {  	[sflag:s25] =	ssyncadd.s32 $0xFFFFC000;
	(pc) =	sbr.rel @p2 .LBB2_6-.Ltmp2, $4  }
0xbf: {  	_ =	swait.ge [sflag:s9], $0x80  }
0xc0: {  	[sflag:s9] =	ssyncset.done $0x0  }
0xc1: {  	[sflag:s9] =	ssyncadd.s32 $0xFFFFFF80  }
0xc2: {  	[spmem:s1] =	stream.indirect.scatter.add.f32 [tilespmem:s30], [sflag:$0x6], $0x80, s31, s26, $0xb8;
	[tilespmem:$0x1FE80] =	vst v63  }
0xc3: {  	[spmem:s4] =	stream.indirect.scatter.add.f32 [tilespmem:s2], [sflag:$0x8], $0x1, s17, s26, $0xb8;
	[tilespmem:$0x1FE80] =	vst v63  }
0xc4: {  	_ =	swait.ge [sflag:s11], $0x4000  }
0xc5: {  	[sflag:s11] =	ssyncset.done $0x0  }
0xc6: {  	[sflag:s11] =	ssyncadd.s32 $0xFFFFC000  }
0xc7: {  	_ =	swait.ge [sflag:s13], $0x80  }
0xc8: {  	[sflag:s13] =	ssyncset.done $0x0  }
0xc9: {  	s14 =	simm.s32 $0x1480;
	[sflag:s13] =	ssyncadd.s32 $0xFFFFFF80  }
0xca: {  	[tilespmem:s30], [sflag:$0x2] =	stream.indirect.gather [hbm4b:s6+s26], $0x80, s14, s26, $0xb8;
	[tilespmem:$0x1FE80] =	vst v63  }
0xcb: {  	_ = 	snop  }
0xcc: {  	[tilespmem:s2], [sflag:$0x4] =	stream.indirect.gather [spmem:s3], $0x1, s15, s26, $0xb8;
	[tilespmem:$0x1FE80] =	vst v63  }
0xcd: {  	_ =	swait.ge [sflag:s24], $0x4000  }
0xce: {  	[sflag:s24] =	ssyncset.done $0x0  }
0xcf: {  	[sflag:s24] =	ssyncadd.s32 $0xFFFFC000  }
0xd0: {  	_ =	swait.ge [sflag:s0], $0x80  }
0xd1: {  	[sflag:s0] =	ssyncset.done $0x0  }
0xd2: {  	s20 =	simm.s32 $0x2C00;
	[sflag:s0] =	ssyncadd.s32 $0xFFFFFF80  }
0xd3: {  	[spmem:s1] =	stream.indirect.scatter.add.f32 [tilespmem:s28], [sflag:$0x5], $0x80, s20, s26, $0xb8;
	[tilespmem:$0x1FE80] =	vst v63  }
0xd4: {  	s31 =	simm.s32 $0x1400  }
0xd5: {  	[spmem:s4] =	stream.indirect.scatter.add.f32 [tilespmem:s29], [sflag:$0x7], $0x1, s31, s26, $0xb8;
	[tilespmem:$0x1FE80] =	vst v63  }
0xd6: {  	_ =	swait.ge [sflag:s25], $0x4000  }
0xd7: {  	[sflag:s25] =	ssyncset.done $0x0  }
0xd8: {  	[sflag:s25] =	ssyncadd.s32 $0xFFFFC000  }
0xd9: {  	_ =	swait.ge [sflag:s9], $0x80  }
0xda: {  	[sflag:s9] =	ssyncset.done $0x0  }
0xdb: {  	[sflag:s9] =	ssyncadd.s32 $0xFFFFFF80  }
0xdc: {  	[spmem:s1] =	stream.indirect.scatter.add.f32 [tilespmem:s30], [sflag:$0x6], $0x80, s15, s26, $0xb8;
	[tilespmem:$0x1FE80] =	vst v63  }
0xdd: {  	_ = 	snop  }
0xde: {  	[spmem:s4] =	stream.indirect.scatter.add.f32 [tilespmem:s2], [sflag:$0x8], $0x1, s14, s26, $0xb8;
	[tilespmem:$0x1FE80] =	vst v63  }
0xdf: {  	_ =	swait.ge [sflag:s7], $0x4000  }
0xe0: {  	[sflag:s7] =	ssyncset.done $0x0  }
0xe1: {  	[sflag:s7] =	ssyncadd.s32 $0xFFFFC000  }
0xe2: {  	_ =	swait.ge [sflag:s8], $0x80  }
0xe3: {  	[sflag:s8] =	ssyncset.done $0x0  }
0xe4: {  	[sflag:s8] =	ssyncadd.s32 $0xFFFFFF80  }
0xe5: {  	_ =	swait.ge [sflag:s11], $0x4000  }
0xe6: {  	[sflag:s11] =	ssyncset.done $0x0  }
0xe7: {  	[sflag:s11] =	ssyncadd.s32 $0xFFFFC000  }
0xe8: {  	_ =	swait.ge [sflag:s13], $0x80  }
0xe9: {  	[sflag:s13] =	ssyncset.done $0x0  }
0xea: {  	s18 =	stileid.u32;
	[sflag:s13] =	ssyncadd.s32 $0xFFFFFF80  }
0xeb: {  	s14 =	sshll.u32 s18, $0x6;
	[bflag:$0x0] =	sbarrier.arrive $0xFFFF  }
0xec: {  	s20 =	sshrl.u32 s10, $0x3;
	s14 =	sor.u32 $0x1C09, s14;
	s18 =	rddreg [dreg:$0x8]  }
0xed: {  	[hbm:s18], [sflag:s14] =	dma.local [spmem:s20], $0x2800  }
0xee: {  	_ =	swait.ge [sflag:s22], $0x2800  }
0xef: {  	s17 =	sshrl.u32 s12, $0x3;
	s31 =	simm.s32 $0x10;
	[sflag:s22] =	ssyncset.done $0x0  }
0xf0: {  	s20 =	simm.s32 $0x20;
	s18 =	rddreg [dreg:$0x9];
	[sflag:s22] =	ssyncadd.s32 $0xFFFFD800  }
0xf1: {  	[hbm:s18@s20], [sflag:s14] =	dma.strided [spmem:s17@s31], $0x50, s24, $0x10   }
0xf2: {  	_ =	swait.ge [sflag:s22], $0x50  }
0xf3: {  	s16 =	sadd.s32 $0x1, s16;
	s31 =	rddreg [dreg:$0xa]  }
0xf4: {  	p2 =	sne.s32 s16, s31  }
.Ltmp3:
0xf5: {  	_ = 	snop;
	(pc) =	sbr.rel @p2 .LBB2_1-.Ltmp3, $3  }
0xf6: {  	_ =	sdelay $0x1  }
0xf7: {  	[sflag:s22] =	ssyncset.done $0x0  }
0xf8: {  	[sflag:s22] =	ssyncadd.s32 $0xFFFFFFB0  }
0xf9: {  	_ =	sfence.sel $0x180000  }
0xfa: {  	[bflag:$0x0] =	sbarrier.arrive $0xFFFF  }
0xfb: {  	_ =	strace $0x9000004A  }
0xfc: {  	[bflag:$0x2] =	sbarrier.arrive $0xFFFF  }
0xfd: {  	s0 =	rddreg [dreg:$0x4]  }
0xfe: {  	s0 =	sadd.s32 @!p0 $0x100000, s0  }
0xff: {  	[sflag:s0] =	ssyncadd.tile.s32 @!p0 $0x1;
	_ =	shalt  }
.Lfunc_end2:
_tile_overlayer_lowered:
.L_overlay_start_2:
0x100: {  	(tag) =	ssettag $0x2  }
0x101: {  	s0 =	rddreg [dreg:$0x0];
	s2 =	stileid.u32  }
0x102: {  	s1 =	rddreg [dreg:$0x1];
	p0 =	sne.s32 s2, $0x0  }
0x103: {  	s3 =	rddreg [dreg:$0x2];
	[bflag:$0x3] =	sbarrier.arrive $0xFFFF;
	s2 =	simm.s32 @!p0 $0x1C09  }
0x104: {  	[timem:s3], [sflag:s2] =	dma.local @!p0 [hbm:s0], s1  }
0x105: {  	s0 =	simm.s32 @!p0 $0x9  }
0x106: {  	_ =	swait.ge @!p0 [sflag:s0], s1  }
0x107: {  	s1 =	ssub.s32 @!p0 $0x0, s1;
	[sflag:s0] =	ssyncset.done @!p0 $0x0  }
0x108: {  	[sflag:s0] =	ssyncadd.s32 @!p0 s1  }
0x109: {  	[bflag:$0x3] =	sbarrier.arrive $0xFFFF  }
0x10a: {  	_ =	shalt  }

</sc_bundles>
